<compile_context>
chip_gen: v7x
topology: tpu7x:2x2x1
jax: 0.10.2.dev20260603
libtpu: 0.0.44.dev20260713+nightly
codegen_flags: <defaults>
</compile_context>

<pallas_src>
import jax
import jax.numpy as jnp
from jax import lax
from jax.experimental import pallas as pl
from jax.experimental.pallas import tpu as pltpu
from jax.experimental.pallas import tpu_sc as plsc

NC = 2
NS = 16
NW = NC * NS

E = 320000
D = 128
N_NODES = 10000

EPW = E // NW
C = 40
NCHUNK = EPW // C


NSLOT = 5


def _body(x_hbm, ei_hbm, out_hbm, x_sh, idx0_v, idx1_v, rows,
          sem0, sem1, sem2, sem3, sem4):
    sems = [sem0, sem1, sem2, sem3, sem4]
    sid = lax.axis_index("s")
    wid = sid * NC + lax.axis_index("c")
    base = pl.multiple_of(wid * EPW, EPW)

    @pl.when(sid < 5)
    def _stage():
        r0 = pl.multiple_of(sid * 2000, 2000)
        pltpu.sync_copy(x_hbm.at[pl.ds(r0, 2000)], x_sh.at[pl.ds(r0, 2000)])

    pltpu.sync_copy(ei_hbm.at[pl.ds(base, EPW)], idx0_v)
    pltpu.sync_copy(ei_hbm.at[pl.ds(E + base, EPW)], idx1_v)
    plsc.subcore_barrier()

    def _wait(slot, dst_is_hbm):
        if dst_is_hbm:
            pltpu.make_async_copy(
                rows.at[slot], out_hbm.at[pl.ds(0, C)], sems[slot]).wait()
        else:
            pltpu.make_async_copy(
                x_hbm.at[pl.ds(0, C)], rows.at[slot], sems[slot]).wait()

    def group(t, _):
        for u in range(NSLOT):
            j = t * NSLOT + u

            @pl.when(jnp.logical_and(j >= NSLOT, j - NSLOT < NCHUNK))
            def _a():
                _wait(u, dst_is_hbm=True)

            @pl.when(j < NCHUNK)
            def _b():
                off = pl.multiple_of(j * C, C)
                pltpu.async_copy(
                    x_sh.at[idx0_v.at[pl.ds(off, C)]], rows.at[u], sems[u])

            u1 = (u - 1) % NSLOT

            @pl.when(jnp.logical_and(j >= 1, j <= NCHUNK))
            def _c():
                off = pl.multiple_of((j - 1) * C, C)
                _wait(u1, dst_is_hbm=False)
                pltpu.async_copy(
                    x_sh.at[idx1_v.at[pl.ds(off, C)]], rows.at[u1],
                    sems[u1], add=True)

            u2 = (u - 2) % NSLOT

            @pl.when(jnp.logical_and(j >= 2, j <= NCHUNK + 1))
            def _d():
                off = pl.multiple_of((j - 2) * C, C)
                _wait(u2, dst_is_hbm=False)
                pltpu.async_copy(
                    rows.at[u2], out_hbm.at[pl.ds(base + off, C)], sems[u2])
        return 0

    n_groups = (NCHUNK + NSLOT + NSLOT - 1) // NSLOT + 1
    lax.fori_loop(0, n_groups, group, 0)


def kernel(x, edge_index):
    ei = edge_index.astype(jnp.int32).reshape(-1)
    mesh = plsc.VectorSubcoreMesh(core_axis_name="c", subcore_axis_name="s")
    run = pl.kernel(
        _body,
        mesh=mesh,
        compiler_params=pltpu.CompilerParams(use_tc_tiling_on_sc=False),
        out_type=jax.ShapeDtypeStruct((E, D), jnp.float32),
        scratch_types=[
            pltpu.VMEM_SHARED((N_NODES, D), jnp.float32),
            pltpu.VMEM((EPW,), jnp.int32),
            pltpu.VMEM((EPW,), jnp.int32),
            pltpu.VMEM((NSLOT, C, D), jnp.float32),
            pltpu.SemaphoreType.DMA,
            pltpu.SemaphoreType.DMA,
            pltpu.SemaphoreType.DMA,
            pltpu.SemaphoreType.DMA,
            pltpu.SemaphoreType.DMA,
        ],
    )
    return run(x, ei)

# --- scband reference (transcript-rebuilt; emitter-appended) ---
"""Pipeline reference for scband-triple-pattern-pooling-15848429322975 (READ-ONLY COPY).

The authoritative reference and input builder live on the scoring server;
editing this copy changes nothing except your own understanding.
"""

import jax, jax.numpy as jnp
import numpy as np


def setup_inputs(seed: int = 0) -> dict:
    key = jax.random.key(seed)
    k1, k2 = jax.random.split(key)
    x = jax.random.normal(k1, (10000, 128), dtype=jnp.float32)
    edge_index = jax.random.randint(k2, (2, 320000), 0, 10000, dtype=jnp.int64)
    return {"x": x, "edge_index": edge_index}


def reference(x, edge_index):
    # tp_features = x[edge_index]  -> gather: [2, E, d]
    tp_features = jnp.take(x, edge_index, axis=0)
    # sum over dim 0 -> [E, d]
    tp_features = jnp.sum(tp_features, axis=0)
    return tp_features

if __name__ == "__main__":
    import jax
    _d = setup_inputs()
    print(jax.jit(kernel)(*tuple(_d.values())))

</pallas_src>

<mosaic_0001>
#map = affine_map<(d0, d1) -> (0, 0)>
#map1 = affine_map<(d0, d1) -> (0)>
module attributes {stable_mosaic.version = 14 : i64} {
  func.func @_body(%arg0: i32, %arg1: i32, %arg2: memref<10000x128xf32, #tpu.memory_space<hbm>>, %arg3: memref<640000xi32, #tpu.memory_space<hbm>>, %arg4: memref<320000x128xf32, #tpu.memory_space<hbm>>, %arg5: memref<10000x128xf32, #tpu.memory_space<vmem_shared>>, %arg6: memref<10000xi32, #tpu.memory_space<vmem>>, %arg7: memref<10000xi32, #tpu.memory_space<vmem>>, %arg8: memref<5x40x128xf32, #tpu.memory_space<vmem>>, %arg9: memref<!tpu.dma_semaphore, #tpu.memory_space<semaphore_mem>>, %arg10: memref<!tpu.dma_semaphore, #tpu.memory_space<semaphore_mem>>, %arg11: memref<!tpu.dma_semaphore, #tpu.memory_space<semaphore_mem>>, %arg12: memref<!tpu.dma_semaphore, #tpu.memory_space<semaphore_mem>>, %arg13: memref<!tpu.dma_semaphore, #tpu.memory_space<semaphore_mem>>) attributes {dimension_semantics = [#tpu.dimension_semantics<core_parallel>, #tpu.dimension_semantics<subcore_parallel>], iteration_bounds = array<i64: 2, 16>, scalar_prefetch = 0 : i64, scratch_operands = 9 : i64, tpu.core_type = #tpu.core_type<sc_vector_subcore>, window_params = [{transform_indices = #map}, {transform_indices = #map1}, {transform_indices = #map}]} {
    %mul3A = arith.constant 2 : i32
    %mul3A_0 = arith.muli %arg1, %mul3A : i32
    %add3A = arith.addi %mul3A_0, %arg0 : i32
    %mul3A_1 = arith.constant 10000 : i32
    %mul3A_2 = arith.muli %add3A, %mul3A_1 : i32
    %multiple_of3A = tpu.assume_multiple %mul3A_2, 10000 : i32
    %lt3A = arith.constant 5 : i32
    %lt3A_3 = arith.cmpi slt, %arg1, %lt3A : i32
    %convert_element_type3A = arith.extui %lt3A_3 : i1 to i32
    %cond3A = arith.constant 0 : i32
    %cond3A_4 = arith.cmpi ne, %convert_element_type3A, %cond3A : i32
    scf.if %cond3A_4 {
      %mul3A_13 = arith.constant 2000 : i32
      %mul3A_14 = arith.muli %arg1, %mul3A_13 : i32
      %multiple_of3A_15 = tpu.assume_multiple %mul3A_14, 2000 : i32
      "tpu.region"() ({
        %run_scoped3A = tpu.sem_alloc : memref<!tpu.dma_semaphore, #tpu.memory_space<semaphore_mem>>
        %dma_start3A = arith.constant 0 : i32
        %dma_start3A_16 = tpu.memref_slice %arg5[%multiple_of3A_15, %dma_start3A] : memref<10000x128xf32, #tpu.memory_space<vmem_shared>> -> memref<2000x128xf32, #tpu.memory_space<vmem_shared>>
        %dma_start3A_17 = arith.constant 0 : i32
        %dma_start3A_18 = tpu.memref_slice %arg2[%multiple_of3A_15, %dma_start3A_17] : memref<10000x128xf32, #tpu.memory_space<hbm>> -> memref<2000x128xf32, #tpu.memory_space<hbm>>
        tpu.enqueue_dma source(%dma_start3A_18 : memref<2000x128xf32, #tpu.memory_space<hbm>>) target(%dma_start3A_16 : memref<2000x128xf32, #tpu.memory_space<vmem_shared>>) target_semaphore(%run_scoped3A : memref<!tpu.dma_semaphore, #tpu.memory_space<semaphore_mem>>)
        %dma_wait3A = arith.constant 0 : i32
        %dma_wait3A_19 = tpu.memref_slice %arg5[%multiple_of3A_15, %dma_wait3A] : memref<10000x128xf32, #tpu.memory_space<vmem_shared>> -> memref<2000x128xf32, #tpu.memory_space<vmem_shared>>
        %dma_wait3A_20 = arith.constant 0 : i32
        %dma_wait3A_21 = tpu.memref_slice %arg2[%multiple_of3A_15, %dma_wait3A_20] : memref<10000x128xf32, #tpu.memory_space<hbm>> -> memref<2000x128xf32, #tpu.memory_space<hbm>>
        tpu.wait_dma2 semaphore(%run_scoped3A : memref<!tpu.dma_semaphore, #tpu.memory_space<semaphore_mem>>) src(%dma_wait3A_21 : memref<2000x128xf32, #tpu.memory_space<hbm>>) dst(%dma_wait3A_19 : memref<2000x128xf32, #tpu.memory_space<vmem_shared>>)
        tpu.yield
      }) : () -> ()
    } else {
    }
    "tpu.region"() ({
      %run_scoped3A = tpu.sem_alloc : memref<!tpu.dma_semaphore, #tpu.memory_space<semaphore_mem>>
      %dma_start3A = tpu.memref_slice %arg3[%multiple_of3A] : memref<640000xi32, #tpu.memory_space<hbm>> -> memref<10000xi32, #tpu.memory_space<hbm>>
      %dma_start3A_13 = tpu.memref_slice %arg3[%multiple_of3A] : memref<640000xi32, #tpu.memory_space<hbm>> -> memref<10000xi32, #tpu.memory_space<hbm>>
      tpu.enqueue_dma source(%dma_start3A_13 : memref<10000xi32, #tpu.memory_space<hbm>>) target(%arg6 : memref<10000xi32, #tpu.memory_space<vmem>>) target_semaphore(%run_scoped3A : memref<!tpu.dma_semaphore, #tpu.memory_space<semaphore_mem>>)
      %dma_wait3A = tpu.memref_slice %arg3[%multiple_of3A] : memref<640000xi32, #tpu.memory_space<hbm>> -> memref<10000xi32, #tpu.memory_space<hbm>>
      %dma_wait3A_14 = tpu.memref_slice %arg3[%multiple_of3A] : memref<640000xi32, #tpu.memory_space<hbm>> -> memref<10000xi32, #tpu.memory_space<hbm>>
      tpu.wait_dma2 semaphore(%run_scoped3A : memref<!tpu.dma_semaphore, #tpu.memory_space<semaphore_mem>>) src(%dma_wait3A_14 : memref<10000xi32, #tpu.memory_space<hbm>>) dst(%arg6 : memref<10000xi32, #tpu.memory_space<vmem>>)
      tpu.yield
    }) : () -> ()
    %add3A_5 = arith.constant 320000 : i32
    %add3A_6 = arith.addi %add3A_5, %multiple_of3A : i32
    "tpu.region"() ({
      %run_scoped3A = tpu.sem_alloc : memref<!tpu.dma_semaphore, #tpu.memory_space<semaphore_mem>>
      %dma_start3A = tpu.memref_slice %arg3[%add3A_6] : memref<640000xi32, #tpu.memory_space<hbm>> -> memref<10000xi32, #tpu.memory_space<hbm>>
      %dma_start3A_13 = tpu.memref_slice %arg3[%add3A_6] : memref<640000xi32, #tpu.memory_space<hbm>> -> memref<10000xi32, #tpu.memory_space<hbm>>
      tpu.enqueue_dma source(%dma_start3A_13 : memref<10000xi32, #tpu.memory_space<hbm>>) target(%arg7 : memref<10000xi32, #tpu.memory_space<vmem>>) target_semaphore(%run_scoped3A : memref<!tpu.dma_semaphore, #tpu.memory_space<semaphore_mem>>)
      %dma_wait3A = tpu.memref_slice %arg3[%add3A_6] : memref<640000xi32, #tpu.memory_space<hbm>> -> memref<10000xi32, #tpu.memory_space<hbm>>
      %dma_wait3A_14 = tpu.memref_slice %arg3[%add3A_6] : memref<640000xi32, #tpu.memory_space<hbm>> -> memref<10000xi32, #tpu.memory_space<hbm>>
      tpu.wait_dma2 semaphore(%run_scoped3A : memref<!tpu.dma_semaphore, #tpu.memory_space<semaphore_mem>>) src(%dma_wait3A_14 : memref<10000xi32, #tpu.memory_space<hbm>>) dst(%arg7 : memref<10000xi32, #tpu.memory_space<vmem>>)
      tpu.yield
    }) : () -> ()
    %barrier3A = arith.constant 0 : index
    tpu.barrier barrier_id(%barrier3A)
    %scan3A = arith.constant 0 : i32
    %scan3A_7 = arith.constant 0 : i32
    %scan3A_8 = arith.constant 52 : i32
    %scan3A_9 = arith.addi %scan3A_7, %scan3A_8 : i32
    %scan3A_10 = arith.constant 1 : i32
    %scan3A_11 = scf.for %scan3A_13 = %scan3A_7 to %scan3A_9 step %scan3A_10 iter_args(%scan3A_14 = %scan3A) -> (i32)  : i32 {
      %mul3A_15 = arith.constant 5 : i32
      %mul3A_16 = arith.muli %scan3A_13, %mul3A_15 : i32
      %add3A_17 = arith.constant 0 : i32
      %add3A_18 = arith.addi %mul3A_16, %add3A_17 : i32
      %ge3A = arith.constant 5 : i32
      %ge3A_19 = arith.cmpi sge, %add3A_18, %ge3A : i32
      %sub3A = arith.constant 5 : i32
      %sub3A_20 = arith.subi %add3A_18, %sub3A : i32
      %lt3A_21 = arith.constant 250 : i32
      %lt3A_22 = arith.cmpi slt, %sub3A_20, %lt3A_21 : i32
      %and3A = arith.andi %ge3A_19, %lt3A_22 : i1
      %convert_element_type3A_23 = arith.extui %and3A : i1 to i32
      %cond3A_24 = arith.constant 0 : i32
      %cond3A_25 = arith.cmpi ne, %convert_element_type3A_23, %cond3A_24 : i32
      scf.if %cond3A_25 {
        %dma_wait3A = arith.constant 0 : i32
        %dma_wait3A_187 = arith.constant 0 : i32
        %dma_wait3A_188 = arith.constant 0 : i32
        %dma_wait3A_189 = tpu.memref_slice %arg8[%dma_wait3A, %dma_wait3A_187, %dma_wait3A_188] : memref<5x40x128xf32, #tpu.memory_space<vmem>> -> memref<1x40x128xf32, #tpu.memory_space<vmem>>
        %dma_wait3A_190 = tpu.memref_squeeze %dma_wait3A_189 : memref<1x40x128xf32, #tpu.memory_space<vmem>> -> memref<40x128xf32, #tpu.memory_space<vmem>>
        %dma_wait3A_191 = arith.constant 0 : i32
        %dma_wait3A_192 = arith.constant 0 : i32
        %dma_wait3A_193 = tpu.memref_slice %arg4[%dma_wait3A_191, %dma_wait3A_192] : memref<320000x128xf32, #tpu.memory_space<hbm>> -> memref<40x128xf32, #tpu.memory_space<hbm>>
        %dma_wait3A_194 = arith.constant 0 : i32
        %dma_wait3A_195 = arith.constant 0 : i32
        %dma_wait3A_196 = tpu.memref_slice %arg4[%dma_wait3A_194, %dma_wait3A_195] : memref<320000x128xf32, #tpu.memory_space<hbm>> -> memref<40x128xf32, #tpu.memory_space<hbm>>
        %dma_wait3A_197 = arith.constant 0 : i32
        %dma_wait3A_198 = arith.constant 0 : i32
        %dma_wait3A_199 = tpu.memref_slice %arg8[%dma_wait3A, %dma_wait3A_197, %dma_wait3A_198] : memref<5x40x128xf32, #tpu.memory_space<vmem>> -> memref<1x40x128xf32, #tpu.memory_space<vmem>>
        %dma_wait3A_200 = tpu.memref_squeeze %dma_wait3A_199 : memref<1x40x128xf32, #tpu.memory_space<vmem>> -> memref<40x128xf32, #tpu.memory_space<vmem>>
        tpu.wait_dma2 semaphore(%arg9 : memref<!tpu.dma_semaphore, #tpu.memory_space<semaphore_mem>>) src(%dma_wait3A_200 : memref<40x128xf32, #tpu.memory_space<vmem>>) dst(%dma_wait3A_196 : memref<40x128xf32, #tpu.memory_space<hbm>>)
      } else {
      }
      %lt3A_26 = arith.constant 250 : i32
      %lt3A_27 = arith.cmpi slt, %add3A_18, %lt3A_26 : i32
      %convert_element_type3A_28 = arith.extui %lt3A_27 : i1 to i32
      %cond3A_29 = arith.constant 0 : i32
      %cond3A_30 = arith.cmpi ne, %convert_element_type3A_28, %cond3A_29 : i32
      scf.if %cond3A_30 {
        %mul3A_187 = arith.constant 40 : i32
        %mul3A_188 = arith.muli %add3A_18, %mul3A_187 : i32
        %multiple_of3A_189 = tpu.assume_multiple %mul3A_188, 40 : i32
        %dma_start3A = arith.constant 0 : i32
        %dma_start3A_190 = arith.constant 0 : i32
        %dma_start3A_191 = arith.constant 0 : i32
        %dma_start3A_192 = tpu.memref_slice %arg8[%dma_start3A, %dma_start3A_190, %dma_start3A_191] : memref<5x40x128xf32, #tpu.memory_space<vmem>> -> memref<1x40x128xf32, #tpu.memory_space<vmem>>
        %dma_start3A_193 = tpu.memref_squeeze %dma_start3A_192 : memref<1x40x128xf32, #tpu.memory_space<vmem>> -> memref<40x128xf32, #tpu.memory_space<vmem>>
        %dma_start3A_194 = tpu.memref_slice %arg6[%multiple_of3A_189] : memref<10000xi32, #tpu.memory_space<vmem>> -> memref<40xi32, #tpu.memory_space<vmem>>
        %dma_start3A_195 = arith.constant 0 : i32
        %dma_start3A_196 = arith.constant 0 : i32
        %dma_start3A_197 = tpu.memref_slice %arg5[%dma_start3A_195, %dma_start3A_196] : memref<10000x128xf32, #tpu.memory_space<vmem_shared>> -> memref<10000x128xf32, #tpu.memory_space<vmem_shared>>
        tpu.enqueue_indirect_dma source(%dma_start3A_197 : memref<10000x128xf32, #tpu.memory_space<vmem_shared>>) target(%dma_start3A_193 : memref<40x128xf32, #tpu.memory_space<vmem>>) offsets(%dma_start3A_194 : memref<40xi32, #tpu.memory_space<vmem>>) semaphore(%arg9 : memref<!tpu.dma_semaphore, #tpu.memory_space<semaphore_mem>>)
      } else {
      }
      %ge3A_31 = arith.constant 1 : i32
      %ge3A_32 = arith.cmpi sge, %add3A_18, %ge3A_31 : i32
      %le3A = arith.constant 250 : i32
      %le3A_33 = arith.cmpi sle, %add3A_18, %le3A : i32
      %and3A_34 = arith.andi %ge3A_32, %le3A_33 : i1
      %convert_element_type3A_35 = arith.extui %and3A_34 : i1 to i32
      %cond3A_36 = arith.constant 0 : i32
      %cond3A_37 = arith.cmpi ne, %convert_element_type3A_35, %cond3A_36 : i32
      scf.if %cond3A_37 {
        %sub3A_187 = arith.constant 1 : i32
        %sub3A_188 = arith.subi %add3A_18, %sub3A_187 : i32
        %mul3A_189 = arith.constant 40 : i32
        %mul3A_190 = arith.muli %sub3A_188, %mul3A_189 : i32
        %multiple_of3A_191 = tpu.assume_multiple %mul3A_190, 40 : i32
        %dma_wait3A = arith.constant 4 : i32
        %dma_wait3A_192 = arith.constant 0 : i32
        %dma_wait3A_193 = arith.constant 0 : i32
        %dma_wait3A_194 = tpu.memref_slice %arg8[%dma_wait3A, %dma_wait3A_192, %dma_wait3A_193] : memref<5x40x128xf32, #tpu.memory_space<vmem>> -> memref<1x40x128xf32, #tpu.memory_space<vmem>>
        %dma_wait3A_195 = tpu.memref_squeeze %dma_wait3A_194 : memref<1x40x128xf32, #tpu.memory_space<vmem>> -> memref<40x128xf32, #tpu.memory_space<vmem>>
        %dma_wait3A_196 = arith.constant 0 : i32
        %dma_wait3A_197 = arith.constant 0 : i32
        %dma_wait3A_198 = tpu.memref_slice %arg2[%dma_wait3A_196, %dma_wait3A_197] : memref<10000x128xf32, #tpu.memory_space<hbm>> -> memref<40x128xf32, #tpu.memory_space<hbm>>
        %dma_wait3A_199 = arith.constant 0 : i32
        %dma_wait3A_200 = arith.constant 0 : i32
        %dma_wait3A_201 = tpu.memref_slice %arg8[%dma_wait3A, %dma_wait3A_199, %dma_wait3A_200] : memref<5x40x128xf32, #tpu.memory_space<vmem>> -> memref<1x40x128xf32, #tpu.memory_space<vmem>>
        %dma_wait3A_202 = tpu.memref_squeeze %dma_wait3A_201 : memref<1x40x128xf32, #tpu.memory_space<vmem>> -> memref<40x128xf32, #tpu.memory_space<vmem>>
        %dma_wait3A_203 = arith.constant 0 : i32
        %dma_wait3A_204 = arith.constant 0 : i32
        %dma_wait3A_205 = tpu.memref_slice %arg2[%dma_wait3A_203, %dma_wait3A_204] : memref<10000x128xf32, #tpu.memory_space<hbm>> -> memref<40x128xf32, #tpu.memory_space<hbm>>
        tpu.wait_dma2 semaphore(%arg13 : memref<!tpu.dma_semaphore, #tpu.memory_space<semaphore_mem>>) src(%dma_wait3A_205 : memref<40x128xf32, #tpu.memory_space<hbm>>) dst(%dma_wait3A_202 : memref<40x128xf32, #tpu.memory_space<vmem>>)
        %dma_start3A = arith.constant 4 : i32
        %dma_start3A_206 = arith.constant 0 : i32
        %dma_start3A_207 = arith.constant 0 : i32
        %dma_start3A_208 = tpu.memref_slice %arg8[%dma_start3A, %dma_start3A_206, %dma_start3A_207] : memref<5x40x128xf32, #tpu.memory_space<vmem>> -> memref<1x40x128xf32, #tpu.memory_space<vmem>>
        %dma_start3A_209 = tpu.memref_squeeze %dma_start3A_208 : memref<1x40x128xf32, #tpu.memory_space<vmem>> -> memref<40x128xf32, #tpu.memory_space<vmem>>
        %dma_start3A_210 = tpu.memref_slice %arg7[%multiple_of3A_191] : memref<10000xi32, #tpu.memory_space<vmem>> -> memref<40xi32, #tpu.memory_space<vmem>>
        %dma_start3A_211 = arith.constant 0 : i32
        %dma_start3A_212 = arith.constant 0 : i32
        %dma_start3A_213 = tpu.memref_slice %arg5[%dma_start3A_211, %dma_start3A_212] : memref<10000x128xf32, #tpu.memory_space<vmem_shared>> -> memref<10000x128xf32, #tpu.memory_space<vmem_shared>>
        tpu.enqueue_indirect_dma source(%dma_start3A_213 : memref<10000x128xf32, #tpu.memory_space<vmem_shared>>) target(%dma_start3A_209 : memref<40x128xf32, #tpu.memory_space<vmem>>) offsets(%dma_start3A_210 : memref<40xi32, #tpu.memory_space<vmem>>) semaphore(%arg13 : memref<!tpu.dma_semaphore, #tpu.memory_space<semaphore_mem>>) {add = true}
      } else {
      }
      %ge3A_38 = arith.constant 2 : i32
      %ge3A_39 = arith.cmpi sge, %add3A_18, %ge3A_38 : i32
      %le3A_40 = arith.constant 251 : i32
      %le3A_41 = arith.cmpi sle, %add3A_18, %le3A_40 : i32
      %and3A_42 = arith.andi %ge3A_39, %le3A_41 : i1
      %convert_element_type3A_43 = arith.extui %and3A_42 : i1 to i32
      %cond3A_44 = arith.constant 0 : i32
      %cond3A_45 = arith.cmpi ne, %convert_element_type3A_43, %cond3A_44 : i32
      scf.if %cond3A_45 {
        %sub3A_187 = arith.constant 2 : i32
        %sub3A_188 = arith.subi %add3A_18, %sub3A_187 : i32
        %mul3A_189 = arith.constant 40 : i32
        %mul3A_190 = arith.muli %sub3A_188, %mul3A_189 : i32
        %multiple_of3A_191 = tpu.assume_multiple %mul3A_190, 40 : i32
        %dma_wait3A = arith.constant 3 : i32
        %dma_wait3A_192 = arith.constant 0 : i32
        %dma_wait3A_193 = arith.constant 0 : i32
        %dma_wait3A_194 = tpu.memref_slice %arg8[%dma_wait3A, %dma_wait3A_192, %dma_wait3A_193] : memref<5x40x128xf32, #tpu.memory_space<vmem>> -> memref<1x40x128xf32, #tpu.memory_space<vmem>>
        %dma_wait3A_195 = tpu.memref_squeeze %dma_wait3A_194 : memref<1x40x128xf32, #tpu.memory_space<vmem>> -> memref<40x128xf32, #tpu.memory_space<vmem>>
        %dma_wait3A_196 = arith.constant 0 : i32
        %dma_wait3A_197 = arith.constant 0 : i32
        %dma_wait3A_198 = tpu.memref_slice %arg2[%dma_wait3A_196, %dma_wait3A_197] : memref<10000x128xf32, #tpu.memory_space<hbm>> -> memref<40x128xf32, #tpu.memory_space<hbm>>
        %dma_wait3A_199 = arith.constant 0 : i32
        %dma_wait3A_200 = arith.constant 0 : i32
        %dma_wait3A_201 = tpu.memref_slice %arg8[%dma_wait3A, %dma_wait3A_199, %dma_wait3A_200] : memref<5x40x128xf32, #tpu.memory_space<vmem>> -> memref<1x40x128xf32, #tpu.memory_space<vmem>>
        %dma_wait3A_202 = tpu.memref_squeeze %dma_wait3A_201 : memref<1x40x128xf32, #tpu.memory_space<vmem>> -> memref<40x128xf32, #tpu.memory_space<vmem>>
        %dma_wait3A_203 = arith.constant 0 : i32
        %dma_wait3A_204 = arith.constant 0 : i32
        %dma_wait3A_205 = tpu.memref_slice %arg2[%dma_wait3A_203, %dma_wait3A_204] : memref<10000x128xf32, #tpu.memory_space<hbm>> -> memref<40x128xf32, #tpu.memory_space<hbm>>
        tpu.wait_dma2 semaphore(%arg12 : memref<!tpu.dma_semaphore, #tpu.memory_space<semaphore_mem>>) src(%dma_wait3A_205 : memref<40x128xf32, #tpu.memory_space<hbm>>) dst(%dma_wait3A_202 : memref<40x128xf32, #tpu.memory_space<vmem>>)
        %add3A_206 = arith.addi %multiple_of3A, %multiple_of3A_191 : i32
        %dma_start3A = arith.constant 3 : i32
        %dma_start3A_207 = arith.constant 0 : i32
        %dma_start3A_208 = arith.constant 0 : i32
        %dma_start3A_209 = tpu.memref_slice %arg8[%dma_start3A, %dma_start3A_207, %dma_start3A_208] : memref<5x40x128xf32, #tpu.memory_space<vmem>> -> memref<1x40x128xf32, #tpu.memory_space<vmem>>
        %dma_start3A_210 = tpu.memref_squeeze %dma_start3A_209 : memref<1x40x128xf32, #tpu.memory_space<vmem>> -> memref<40x128xf32, #tpu.memory_space<vmem>>
        %dma_start3A_211 = arith.constant 0 : i32
        %dma_start3A_212 = tpu.memref_slice %arg4[%add3A_206, %dma_start3A_211] : memref<320000x128xf32, #tpu.memory_space<hbm>> -> memref<40x128xf32, #tpu.memory_space<hbm>>
        %dma_start3A_213 = arith.constant 0 : i32
        %dma_start3A_214 = tpu.memref_slice %arg4[%add3A_206, %dma_start3A_213] : memref<320000x128xf32, #tpu.memory_space<hbm>> -> memref<40x128xf32, #tpu.memory_space<hbm>>
        %dma_start3A_215 = arith.constant 0 : i32
        %dma_start3A_216 = arith.constant 0 : i32
        %dma_start3A_217 = tpu.memref_slice %arg8[%dma_start3A, %dma_start3A_215, %dma_start3A_216] : memref<5x40x128xf32, #tpu.memory_space<vmem>> -> memref<1x40x128xf32, #tpu.memory_space<vmem>>
        %dma_start3A_218 = tpu.memref_squeeze %dma_start3A_217 : memref<1x40x128xf32, #tpu.memory_space<vmem>> -> memref<40x128xf32, #tpu.memory_space<vmem>>
        tpu.enqueue_dma source(%dma_start3A_218 : memref<40x128xf32, #tpu.memory_space<vmem>>) target(%dma_start3A_214 : memref<40x128xf32, #tpu.memory_space<hbm>>) target_semaphore(%arg12 : memref<!tpu.dma_semaphore, #tpu.memory_space<semaphore_mem>>)
      } else {
      }
      %mul3A_46 = arith.constant 5 : i32
      %mul3A_47 = arith.muli %scan3A_13, %mul3A_46 : i32
      %add3A_48 = arith.constant 1 : i32
      %add3A_49 = arith.addi %mul3A_47, %add3A_48 : i32
      %ge3A_50 = arith.constant 5 : i32
      %ge3A_51 = arith.cmpi sge, %add3A_49, %ge3A_50 : i32
      %sub3A_52 = arith.constant 5 : i32
      %sub3A_53 = arith.subi %add3A_49, %sub3A_52 : i32
      %lt3A_54 = arith.constant 250 : i32
      %lt3A_55 = arith.cmpi slt, %sub3A_53, %lt3A_54 : i32
      %and3A_56 = arith.andi %ge3A_51, %lt3A_55 : i1
      %convert_element_type3A_57 = arith.extui %and3A_56 : i1 to i32
      %cond3A_58 = arith.constant 0 : i32
      %cond3A_59 = arith.cmpi ne, %convert_element_type3A_57, %cond3A_58 : i32
      scf.if %cond3A_59 {
        %dma_wait3A = arith.constant 1 : i32
        %dma_wait3A_187 = arith.constant 0 : i32
        %dma_wait3A_188 = arith.constant 0 : i32
        %dma_wait3A_189 = tpu.memref_slice %arg8[%dma_wait3A, %dma_wait3A_187, %dma_wait3A_188] : memref<5x40x128xf32, #tpu.memory_space<vmem>> -> memref<1x40x128xf32, #tpu.memory_space<vmem>>
        %dma_wait3A_190 = tpu.memref_squeeze %dma_wait3A_189 : memref<1x40x128xf32, #tpu.memory_space<vmem>> -> memref<40x128xf32, #tpu.memory_space<vmem>>
        %dma_wait3A_191 = arith.constant 0 : i32
        %dma_wait3A_192 = arith.constant 0 : i32
        %dma_wait3A_193 = tpu.memref_slice %arg4[%dma_wait3A_191, %dma_wait3A_192] : memref<320000x128xf32, #tpu.memory_space<hbm>> -> memref<40x128xf32, #tpu.memory_space<hbm>>
        %dma_wait3A_194 = arith.constant 0 : i32
        %dma_wait3A_195 = arith.constant 0 : i32
        %dma_wait3A_196 = tpu.memref_slice %arg4[%dma_wait3A_194, %dma_wait3A_195] : memref<320000x128xf32, #tpu.memory_space<hbm>> -> memref<40x128xf32, #tpu.memory_space<hbm>>
        %dma_wait3A_197 = arith.constant 0 : i32
        %dma_wait3A_198 = arith.constant 0 : i32
        %dma_wait3A_199 = tpu.memref_slice %arg8[%dma_wait3A, %dma_wait3A_197, %dma_wait3A_198] : memref<5x40x128xf32, #tpu.memory_space<vmem>> -> memref<1x40x128xf32, #tpu.memory_space<vmem>>
        %dma_wait3A_200 = tpu.memref_squeeze %dma_wait3A_199 : memref<1x40x128xf32, #tpu.memory_space<vmem>> -> memref<40x128xf32, #tpu.memory_space<vmem>>
        tpu.wait_dma2 semaphore(%arg10 : memref<!tpu.dma_semaphore, #tpu.memory_space<semaphore_mem>>) src(%dma_wait3A_200 : memref<40x128xf32, #tpu.memory_space<vmem>>) dst(%dma_wait3A_196 : memref<40x128xf32, #tpu.memory_space<hbm>>)
      } else {
      }
      %lt3A_60 = arith.constant 250 : i32
      %lt3A_61 = arith.cmpi slt, %add3A_49, %lt3A_60 : i32
      %convert_element_type3A_62 = arith.extui %lt3A_61 : i1 to i32
      %cond3A_63 = arith.constant 0 : i32
      %cond3A_64 = arith.cmpi ne, %convert_element_type3A_62, %cond3A_63 : i32
      scf.if %cond3A_64 {
        %mul3A_187 = arith.constant 40 : i32
        %mul3A_188 = arith.muli %add3A_49, %mul3A_187 : i32
        %multiple_of3A_189 = tpu.assume_multiple %mul3A_188, 40 : i32
        %dma_start3A = arith.constant 1 : i32
        %dma_start3A_190 = arith.constant 0 : i32
        %dma_start3A_191 = arith.constant 0 : i32
        %dma_start3A_192 = tpu.memref_slice %arg8[%dma_start3A, %dma_start3A_190, %dma_start3A_191] : memref<5x40x128xf32, #tpu.memory_space<vmem>> -> memref<1x40x128xf32, #tpu.memory_space<vmem>>
        %dma_start3A_193 = tpu.memref_squeeze %dma_start3A_192 : memref<1x40x128xf32, #tpu.memory_space<vmem>> -> memref<40x128xf32, #tpu.memory_space<vmem>>
        %dma_start3A_194 = tpu.memref_slice %arg6[%multiple_of3A_189] : memref<10000xi32, #tpu.memory_space<vmem>> -> memref<40xi32, #tpu.memory_space<vmem>>
        %dma_start3A_195 = arith.constant 0 : i32
        %dma_start3A_196 = arith.constant 0 : i32
        %dma_start3A_197 = tpu.memref_slice %arg5[%dma_start3A_195, %dma_start3A_196] : memref<10000x128xf32, #tpu.memory_space<vmem_shared>> -> memref<10000x128xf32, #tpu.memory_space<vmem_shared>>
        tpu.enqueue_indirect_dma source(%dma_start3A_197 : memref<10000x128xf32, #tpu.memory_space<vmem_shared>>) target(%dma_start3A_193 : memref<40x128xf32, #tpu.memory_space<vmem>>) offsets(%dma_start3A_194 : memref<40xi32, #tpu.memory_space<vmem>>) semaphore(%arg10 : memref<!tpu.dma_semaphore, #tpu.memory_space<semaphore_mem>>)
      } else {
      }
      %ge3A_65 = arith.constant 1 : i32
      %ge3A_66 = arith.cmpi sge, %add3A_49, %ge3A_65 : i32
      %le3A_67 = arith.constant 250 : i32
      %le3A_68 = arith.cmpi sle, %add3A_49, %le3A_67 : i32
      %and3A_69 = arith.andi %ge3A_66, %le3A_68 : i1
      %convert_element_type3A_70 = arith.extui %and3A_69 : i1 to i32
      %cond3A_71 = arith.constant 0 : i32
      %cond3A_72 = arith.cmpi ne, %convert_element_type3A_70, %cond3A_71 : i32
      scf.if %cond3A_72 {
        %sub3A_187 = arith.constant 1 : i32
        %sub3A_188 = arith.subi %add3A_49, %sub3A_187 : i32
        %mul3A_189 = arith.constant 40 : i32
        %mul3A_190 = arith.muli %sub3A_188, %mul3A_189 : i32
        %multiple_of3A_191 = tpu.assume_multiple %mul3A_190, 40 : i32
        %dma_wait3A = arith.constant 0 : i32
        %dma_wait3A_192 = arith.constant 0 : i32
        %dma_wait3A_193 = arith.constant 0 : i32
        %dma_wait3A_194 = tpu.memref_slice %arg8[%dma_wait3A, %dma_wait3A_192, %dma_wait3A_193] : memref<5x40x128xf32, #tpu.memory_space<vmem>> -> memref<1x40x128xf32, #tpu.memory_space<vmem>>
        %dma_wait3A_195 = tpu.memref_squeeze %dma_wait3A_194 : memref<1x40x128xf32, #tpu.memory_space<vmem>> -> memref<40x128xf32, #tpu.memory_space<vmem>>
        %dma_wait3A_196 = arith.constant 0 : i32
        %dma_wait3A_197 = arith.constant 0 : i32
        %dma_wait3A_198 = tpu.memref_slice %arg2[%dma_wait3A_196, %dma_wait3A_197] : memref<10000x128xf32, #tpu.memory_space<hbm>> -> memref<40x128xf32, #tpu.memory_space<hbm>>
        %dma_wait3A_199 = arith.constant 0 : i32
        %dma_wait3A_200 = arith.constant 0 : i32
        %dma_wait3A_201 = tpu.memref_slice %arg8[%dma_wait3A, %dma_wait3A_199, %dma_wait3A_200] : memref<5x40x128xf32, #tpu.memory_space<vmem>> -> memref<1x40x128xf32, #tpu.memory_space<vmem>>
        %dma_wait3A_202 = tpu.memref_squeeze %dma_wait3A_201 : memref<1x40x128xf32, #tpu.memory_space<vmem>> -> memref<40x128xf32, #tpu.memory_space<vmem>>
        %dma_wait3A_203 = arith.constant 0 : i32
        %dma_wait3A_204 = arith.constant 0 : i32
        %dma_wait3A_205 = tpu.memref_slice %arg2[%dma_wait3A_203, %dma_wait3A_204] : memref<10000x128xf32, #tpu.memory_space<hbm>> -> memref<40x128xf32, #tpu.memory_space<hbm>>
        tpu.wait_dma2 semaphore(%arg9 : memref<!tpu.dma_semaphore, #tpu.memory_space<semaphore_mem>>) src(%dma_wait3A_205 : memref<40x128xf32, #tpu.memory_space<hbm>>) dst(%dma_wait3A_202 : memref<40x128xf32, #tpu.memory_space<vmem>>)
        %dma_start3A = arith.constant 0 : i32
        %dma_start3A_206 = arith.constant 0 : i32
        %dma_start3A_207 = arith.constant 0 : i32
        %dma_start3A_208 = tpu.memref_slice %arg8[%dma_start3A, %dma_start3A_206, %dma_start3A_207] : memref<5x40x128xf32, #tpu.memory_space<vmem>> -> memref<1x40x128xf32, #tpu.memory_space<vmem>>
        %dma_start3A_209 = tpu.memref_squeeze %dma_start3A_208 : memref<1x40x128xf32, #tpu.memory_space<vmem>> -> memref<40x128xf32, #tpu.memory_space<vmem>>
        %dma_start3A_210 = tpu.memref_slice %arg7[%multiple_of3A_191] : memref<10000xi32, #tpu.memory_space<vmem>> -> memref<40xi32, #tpu.memory_space<vmem>>
        %dma_start3A_211 = arith.constant 0 : i32
        %dma_start3A_212 = arith.constant 0 : i32
        %dma_start3A_213 = tpu.memref_slice %arg5[%dma_start3A_211, %dma_start3A_212] : memref<10000x128xf32, #tpu.memory_space<vmem_shared>> -> memref<10000x128xf32, #tpu.memory_space<vmem_shared>>
        tpu.enqueue_indirect_dma source(%dma_start3A_213 : memref<10000x128xf32, #tpu.memory_space<vmem_shared>>) target(%dma_start3A_209 : memref<40x128xf32, #tpu.memory_space<vmem>>) offsets(%dma_start3A_210 : memref<40xi32, #tpu.memory_space<vmem>>) semaphore(%arg9 : memref<!tpu.dma_semaphore, #tpu.memory_space<semaphore_mem>>) {add = true}
      } else {
      }
      %ge3A_73 = arith.constant 2 : i32
      %ge3A_74 = arith.cmpi sge, %add3A_49, %ge3A_73 : i32
      %le3A_75 = arith.constant 251 : i32
      %le3A_76 = arith.cmpi sle, %add3A_49, %le3A_75 : i32
      %and3A_77 = arith.andi %ge3A_74, %le3A_76 : i1
      %convert_element_type3A_78 = arith.extui %and3A_77 : i1 to i32
      %cond3A_79 = arith.constant 0 : i32
      %cond3A_80 = arith.cmpi ne, %convert_element_type3A_78, %cond3A_79 : i32
      scf.if %cond3A_80 {
        %sub3A_187 = arith.constant 2 : i32
        %sub3A_188 = arith.subi %add3A_49, %sub3A_187 : i32
        %mul3A_189 = arith.constant 40 : i32
        %mul3A_190 = arith.muli %sub3A_188, %mul3A_189 : i32
        %multiple_of3A_191 = tpu.assume_multiple %mul3A_190, 40 : i32
        %dma_wait3A = arith.constant 4 : i32
        %dma_wait3A_192 = arith.constant 0 : i32
        %dma_wait3A_193 = arith.constant 0 : i32
        %dma_wait3A_194 = tpu.memref_slice %arg8[%dma_wait3A, %dma_wait3A_192, %dma_wait3A_193] : memref<5x40x128xf32, #tpu.memory_space<vmem>> -> memref<1x40x128xf32, #tpu.memory_space<vmem>>
        %dma_wait3A_195 = tpu.memref_squeeze %dma_wait3A_194 : memref<1x40x128xf32, #tpu.memory_space<vmem>> -> memref<40x128xf32, #tpu.memory_space<vmem>>
        %dma_wait3A_196 = arith.constant 0 : i32
        %dma_wait3A_197 = arith.constant 0 : i32
        %dma_wait3A_198 = tpu.memref_slice %arg2[%dma_wait3A_196, %dma_wait3A_197] : memref<10000x128xf32, #tpu.memory_space<hbm>> -> memref<40x128xf32, #tpu.memory_space<hbm>>
        %dma_wait3A_199 = arith.constant 0 : i32
        %dma_wait3A_200 = arith.constant 0 : i32
        %dma_wait3A_201 = tpu.memref_slice %arg8[%dma_wait3A, %dma_wait3A_199, %dma_wait3A_200] : memref<5x40x128xf32, #tpu.memory_space<vmem>> -> memref<1x40x128xf32, #tpu.memory_space<vmem>>
        %dma_wait3A_202 = tpu.memref_squeeze %dma_wait3A_201 : memref<1x40x128xf32, #tpu.memory_space<vmem>> -> memref<40x128xf32, #tpu.memory_space<vmem>>
        %dma_wait3A_203 = arith.constant 0 : i32
        %dma_wait3A_204 = arith.constant 0 : i32
        %dma_wait3A_205 = tpu.memref_slice %arg2[%dma_wait3A_203, %dma_wait3A_204] : memref<10000x128xf32, #tpu.memory_space<hbm>> -> memref<40x128xf32, #tpu.memory_space<hbm>>
        tpu.wait_dma2 semaphore(%arg13 : memref<!tpu.dma_semaphore, #tpu.memory_space<semaphore_mem>>) src(%dma_wait3A_205 : memref<40x128xf32, #tpu.memory_space<hbm>>) dst(%dma_wait3A_202 : memref<40x128xf32, #tpu.memory_space<vmem>>)
        %add3A_206 = arith.addi %multiple_of3A, %multiple_of3A_191 : i32
        %dma_start3A = arith.constant 4 : i32
        %dma_start3A_207 = arith.constant 0 : i32
        %dma_start3A_208 = arith.constant 0 : i32
        %dma_start3A_209 = tpu.memref_slice %arg8[%dma_start3A, %dma_start3A_207, %dma_start3A_208] : memref<5x40x128xf32, #tpu.memory_space<vmem>> -> memref<1x40x128xf32, #tpu.memory_space<vmem>>
        %dma_start3A_210 = tpu.memref_squeeze %dma_start3A_209 : memref<1x40x128xf32, #tpu.memory_space<vmem>> -> memref<40x128xf32, #tpu.memory_space<vmem>>
        %dma_start3A_211 = arith.constant 0 : i32
        %dma_start3A_212 = tpu.memref_slice %arg4[%add3A_206, %dma_start3A_211] : memref<320000x128xf32, #tpu.memory_space<hbm>> -> memref<40x128xf32, #tpu.memory_space<hbm>>
        %dma_start3A_213 = arith.constant 0 : i32
        %dma_start3A_214 = tpu.memref_slice %arg4[%add3A_206, %dma_start3A_213] : memref<320000x128xf32, #tpu.memory_space<hbm>> -> memref<40x128xf32, #tpu.memory_space<hbm>>
        %dma_start3A_215 = arith.constant 0 : i32
        %dma_start3A_216 = arith.constant 0 : i32
        %dma_start3A_217 = tpu.memref_slice %arg8[%dma_start3A, %dma_start3A_215, %dma_start3A_216] : memref<5x40x128xf32, #tpu.memory_space<vmem>> -> memref<1x40x128xf32, #tpu.memory_space<vmem>>
        %dma_start3A_218 = tpu.memref_squeeze %dma_start3A_217 : memref<1x40x128xf32, #tpu.memory_space<vmem>> -> memref<40x128xf32, #tpu.memory_space<vmem>>
        tpu.enqueue_dma source(%dma_start3A_218 : memref<40x128xf32, #tpu.memory_space<vmem>>) target(%dma_start3A_214 : memref<40x128xf32, #tpu.memory_space<hbm>>) target_semaphore(%arg13 : memref<!tpu.dma_semaphore, #tpu.memory_space<semaphore_mem>>)
      } else {
      }
      %mul3A_81 = arith.constant 5 : i32
      %mul3A_82 = arith.muli %scan3A_13, %mul3A_81 : i32
      %add3A_83 = arith.constant 2 : i32
      %add3A_84 = arith.addi %mul3A_82, %add3A_83 : i32
      %ge3A_85 = arith.constant 5 : i32
      %ge3A_86 = arith.cmpi sge, %add3A_84, %ge3A_85 : i32
      %sub3A_87 = arith.constant 5 : i32
      %sub3A_88 = arith.subi %add3A_84, %sub3A_87 : i32
      %lt3A_89 = arith.constant 250 : i32
      %lt3A_90 = arith.cmpi slt, %sub3A_88, %lt3A_89 : i32
      %and3A_91 = arith.andi %ge3A_86, %lt3A_90 : i1
      %convert_element_type3A_92 = arith.extui %and3A_91 : i1 to i32
      %cond3A_93 = arith.constant 0 : i32
      %cond3A_94 = arith.cmpi ne, %convert_element_type3A_92, %cond3A_93 : i32
      scf.if %cond3A_94 {
        %dma_wait3A = arith.constant 2 : i32
        %dma_wait3A_187 = arith.constant 0 : i32
        %dma_wait3A_188 = arith.constant 0 : i32
        %dma_wait3A_189 = tpu.memref_slice %arg8[%dma_wait3A, %dma_wait3A_187, %dma_wait3A_188] : memref<5x40x128xf32, #tpu.memory_space<vmem>> -> memref<1x40x128xf32, #tpu.memory_space<vmem>>
        %dma_wait3A_190 = tpu.memref_squeeze %dma_wait3A_189 : memref<1x40x128xf32, #tpu.memory_space<vmem>> -> memref<40x128xf32, #tpu.memory_space<vmem>>
        %dma_wait3A_191 = arith.constant 0 : i32
        %dma_wait3A_192 = arith.constant 0 : i32
        %dma_wait3A_193 = tpu.memref_slice %arg4[%dma_wait3A_191, %dma_wait3A_192] : memref<320000x128xf32, #tpu.memory_space<hbm>> -> memref<40x128xf32, #tpu.memory_space<hbm>>
        %dma_wait3A_194 = arith.constant 0 : i32
        %dma_wait3A_195 = arith.constant 0 : i32
        %dma_wait3A_196 = tpu.memref_slice %arg4[%dma_wait3A_194, %dma_wait3A_195] : memref<320000x128xf32, #tpu.memory_space<hbm>> -> memref<40x128xf32, #tpu.memory_space<hbm>>
        %dma_wait3A_197 = arith.constant 0 : i32
        %dma_wait3A_198 = arith.constant 0 : i32
        %dma_wait3A_199 = tpu.memref_slice %arg8[%dma_wait3A, %dma_wait3A_197, %dma_wait3A_198] : memref<5x40x128xf32, #tpu.memory_space<vmem>> -> memref<1x40x128xf32, #tpu.memory_space<vmem>>
        %dma_wait3A_200 = tpu.memref_squeeze %dma_wait3A_199 : memref<1x40x128xf32, #tpu.memory_space<vmem>> -> memref<40x128xf32, #tpu.memory_space<vmem>>
        tpu.wait_dma2 semaphore(%arg11 : memref<!tpu.dma_semaphore, #tpu.memory_space<semaphore_mem>>) src(%dma_wait3A_200 : memref<40x128xf32, #tpu.memory_space<vmem>>) dst(%dma_wait3A_196 : memref<40x128xf32, #tpu.memory_space<hbm>>)
      } else {
      }
      %lt3A_95 = arith.constant 250 : i32
      %lt3A_96 = arith.cmpi slt, %add3A_84, %lt3A_95 : i32
      %convert_element_type3A_97 = arith.extui %lt3A_96 : i1 to i32
      %cond3A_98 = arith.constant 0 : i32
      %cond3A_99 = arith.cmpi ne, %convert_element_type3A_97, %cond3A_98 : i32
      scf.if %cond3A_99 {
        %mul3A_187 = arith.constant 40 : i32
        %mul3A_188 = arith.muli %add3A_84, %mul3A_187 : i32
        %multiple_of3A_189 = tpu.assume_multiple %mul3A_188, 40 : i32
        %dma_start3A = arith.constant 2 : i32
        %dma_start3A_190 = arith.constant 0 : i32
        %dma_start3A_191 = arith.constant 0 : i32
        %dma_start3A_192 = tpu.memref_slice %arg8[%dma_start3A, %dma_start3A_190, %dma_start3A_191] : memref<5x40x128xf32, #tpu.memory_space<vmem>> -> memref<1x40x128xf32, #tpu.memory_space<vmem>>
        %dma_start3A_193 = tpu.memref_squeeze %dma_start3A_192 : memref<1x40x128xf32, #tpu.memory_space<vmem>> -> memref<40x128xf32, #tpu.memory_space<vmem>>
        %dma_start3A_194 = tpu.memref_slice %arg6[%multiple_of3A_189] : memref<10000xi32, #tpu.memory_space<vmem>> -> memref<40xi32, #tpu.memory_space<vmem>>
        %dma_start3A_195 = arith.constant 0 : i32
        %dma_start3A_196 = arith.constant 0 : i32
        %dma_start3A_197 = tpu.memref_slice %arg5[%dma_start3A_195, %dma_start3A_196] : memref<10000x128xf32, #tpu.memory_space<vmem_shared>> -> memref<10000x128xf32, #tpu.memory_space<vmem_shared>>
        tpu.enqueue_indirect_dma source(%dma_start3A_197 : memref<10000x128xf32, #tpu.memory_space<vmem_shared>>) target(%dma_start3A_193 : memref<40x128xf32, #tpu.memory_space<vmem>>) offsets(%dma_start3A_194 : memref<40xi32, #tpu.memory_space<vmem>>) semaphore(%arg11 : memref<!tpu.dma_semaphore, #tpu.memory_space<semaphore_mem>>)
      } else {
      }
      %ge3A_100 = arith.constant 1 : i32
      %ge3A_101 = arith.cmpi sge, %add3A_84, %ge3A_100 : i32
      %le3A_102 = arith.constant 250 : i32
      %le3A_103 = arith.cmpi sle, %add3A_84, %le3A_102 : i32
      %and3A_104 = arith.andi %ge3A_101, %le3A_103 : i1
      %convert_element_type3A_105 = arith.extui %and3A_104 : i1 to i32
      %cond3A_106 = arith.constant 0 : i32
      %cond3A_107 = arith.cmpi ne, %convert_element_type3A_105, %cond3A_106 : i32
      scf.if %cond3A_107 {
        %sub3A_187 = arith.constant 1 : i32
        %sub3A_188 = arith.subi %add3A_84, %sub3A_187 : i32
        %mul3A_189 = arith.constant 40 : i32
        %mul3A_190 = arith.muli %sub3A_188, %mul3A_189 : i32
        %multiple_of3A_191 = tpu.assume_multiple %mul3A_190, 40 : i32
        %dma_wait3A = arith.constant 1 : i32
        %dma_wait3A_192 = arith.constant 0 : i32
        %dma_wait3A_193 = arith.constant 0 : i32
        %dma_wait3A_194 = tpu.memref_slice %arg8[%dma_wait3A, %dma_wait3A_192, %dma_wait3A_193] : memref<5x40x128xf32, #tpu.memory_space<vmem>> -> memref<1x40x128xf32, #tpu.memory_space<vmem>>
        %dma_wait3A_195 = tpu.memref_squeeze %dma_wait3A_194 : memref<1x40x128xf32, #tpu.memory_space<vmem>> -> memref<40x128xf32, #tpu.memory_space<vmem>>
        %dma_wait3A_196 = arith.constant 0 : i32
        %dma_wait3A_197 = arith.constant 0 : i32
        %dma_wait3A_198 = tpu.memref_slice %arg2[%dma_wait3A_196, %dma_wait3A_197] : memref<10000x128xf32, #tpu.memory_space<hbm>> -> memref<40x128xf32, #tpu.memory_space<hbm>>
        %dma_wait3A_199 = arith.constant 0 : i32
        %dma_wait3A_200 = arith.constant 0 : i32
        %dma_wait3A_201 = tpu.memref_slice %arg8[%dma_wait3A, %dma_wait3A_199, %dma_wait3A_200] : memref<5x40x128xf32, #tpu.memory_space<vmem>> -> memref<1x40x128xf32, #tpu.memory_space<vmem>>
        %dma_wait3A_202 = tpu.memref_squeeze %dma_wait3A_201 : memref<1x40x128xf32, #tpu.memory_space<vmem>> -> memref<40x128xf32, #tpu.memory_space<vmem>>
        %dma_wait3A_203 = arith.constant 0 : i32
        %dma_wait3A_204 = arith.constant 0 : i32
        %dma_wait3A_205 = tpu.memref_slice %arg2[%dma_wait3A_203, %dma_wait3A_204] : memref<10000x128xf32, #tpu.memory_space<hbm>> -> memref<40x128xf32, #tpu.memory_space<hbm>>
        tpu.wait_dma2 semaphore(%arg10 : memref<!tpu.dma_semaphore, #tpu.memory_space<semaphore_mem>>) src(%dma_wait3A_205 : memref<40x128xf32, #tpu.memory_space<hbm>>) dst(%dma_wait3A_202 : memref<40x128xf32, #tpu.memory_space<vmem>>)
        %dma_start3A = arith.constant 1 : i32
        %dma_start3A_206 = arith.constant 0 : i32
        %dma_start3A_207 = arith.constant 0 : i32
        %dma_start3A_208 = tpu.memref_slice %arg8[%dma_start3A, %dma_start3A_206, %dma_start3A_207] : memref<5x40x128xf32, #tpu.memory_space<vmem>> -> memref<1x40x128xf32, #tpu.memory_space<vmem>>
        %dma_start3A_209 = tpu.memref_squeeze %dma_start3A_208 : memref<1x40x128xf32, #tpu.memory_space<vmem>> -> memref<40x128xf32, #tpu.memory_space<vmem>>
        %dma_start3A_210 = tpu.memref_slice %arg7[%multiple_of3A_191] : memref<10000xi32, #tpu.memory_space<vmem>> -> memref<40xi32, #tpu.memory_space<vmem>>
        %dma_start3A_211 = arith.constant 0 : i32
        %dma_start3A_212 = arith.constant 0 : i32
        %dma_start3A_213 = tpu.memref_slice %arg5[%dma_start3A_211, %dma_start3A_212] : memref<10000x128xf32, #tpu.memory_space<vmem_shared>> -> memref<10000x128xf32, #tpu.memory_space<vmem_shared>>
        tpu.enqueue_indirect_dma source(%dma_start3A_213 : memref<10000x128xf32, #tpu.memory_space<vmem_shared>>) target(%dma_start3A_209 : memref<40x128xf32, #tpu.memory_space<vmem>>) offsets(%dma_start3A_210 : memref<40xi32, #tpu.memory_space<vmem>>) semaphore(%arg10 : memref<!tpu.dma_semaphore, #tpu.memory_space<semaphore_mem>>) {add = true}
      } else {
      }
      %ge3A_108 = arith.constant 2 : i32
      %ge3A_109 = arith.cmpi sge, %add3A_84, %ge3A_108 : i32
      %le3A_110 = arith.constant 251 : i32
      %le3A_111 = arith.cmpi sle, %add3A_84, %le3A_110 : i32
      %and3A_112 = arith.andi %ge3A_109, %le3A_111 : i1
      %convert_element_type3A_113 = arith.extui %and3A_112 : i1 to i32
      %cond3A_114 = arith.constant 0 : i32
      %cond3A_115 = arith.cmpi ne, %convert_element_type3A_113, %cond3A_114 : i32
      scf.if %cond3A_115 {
        %sub3A_187 = arith.constant 2 : i32
        %sub3A_188 = arith.subi %add3A_84, %sub3A_187 : i32
        %mul3A_189 = arith.constant 40 : i32
        %mul3A_190 = arith.muli %sub3A_188, %mul3A_189 : i32
        %multiple_of3A_191 = tpu.assume_multiple %mul3A_190, 40 : i32
        %dma_wait3A = arith.constant 0 : i32
        %dma_wait3A_192 = arith.constant 0 : i32
        %dma_wait3A_193 = arith.constant 0 : i32
        %dma_wait3A_194 = tpu.memref_slice %arg8[%dma_wait3A, %dma_wait3A_192, %dma_wait3A_193] : memref<5x40x128xf32, #tpu.memory_space<vmem>> -> memref<1x40x128xf32, #tpu.memory_space<vmem>>
        %dma_wait3A_195 = tpu.memref_squeeze %dma_wait3A_194 : memref<1x40x128xf32, #tpu.memory_space<vmem>> -> memref<40x128xf32, #tpu.memory_space<vmem>>
        %dma_wait3A_196 = arith.constant 0 : i32
        %dma_wait3A_197 = arith.constant 0 : i32
        %dma_wait3A_198 = tpu.memref_slice %arg2[%dma_wait3A_196, %dma_wait3A_197] : memref<10000x128xf32, #tpu.memory_space<hbm>> -> memref<40x128xf32, #tpu.memory_space<hbm>>
        %dma_wait3A_199 = arith.constant 0 : i32
        %dma_wait3A_200 = arith.constant 0 : i32
        %dma_wait3A_201 = tpu.memref_slice %arg8[%dma_wait3A, %dma_wait3A_199, %dma_wait3A_200] : memref<5x40x128xf32, #tpu.memory_space<vmem>> -> memref<1x40x128xf32, #tpu.memory_space<vmem>>
        %dma_wait3A_202 = tpu.memref_squeeze %dma_wait3A_201 : memref<1x40x128xf32, #tpu.memory_space<vmem>> -> memref<40x128xf32, #tpu.memory_space<vmem>>
        %dma_wait3A_203 = arith.constant 0 : i32
        %dma_wait3A_204 = arith.constant 0 : i32
        %dma_wait3A_205 = tpu.memref_slice %arg2[%dma_wait3A_203, %dma_wait3A_204] : memref<10000x128xf32, #tpu.memory_space<hbm>> -> memref<40x128xf32, #tpu.memory_space<hbm>>
        tpu.wait_dma2 semaphore(%arg9 : memref<!tpu.dma_semaphore, #tpu.memory_space<semaphore_mem>>) src(%dma_wait3A_205 : memref<40x128xf32, #tpu.memory_space<hbm>>) dst(%dma_wait3A_202 : memref<40x128xf32, #tpu.memory_space<vmem>>)
        %add3A_206 = arith.addi %multiple_of3A, %multiple_of3A_191 : i32
        %dma_start3A = arith.constant 0 : i32
        %dma_start3A_207 = arith.constant 0 : i32
        %dma_start3A_208 = arith.constant 0 : i32
        %dma_start3A_209 = tpu.memref_slice %arg8[%dma_start3A, %dma_start3A_207, %dma_start3A_208] : memref<5x40x128xf32, #tpu.memory_space<vmem>> -> memref<1x40x128xf32, #tpu.memory_space<vmem>>
        %dma_start3A_210 = tpu.memref_squeeze %dma_start3A_209 : memref<1x40x128xf32, #tpu.memory_space<vmem>> -> memref<40x128xf32, #tpu.memory_space<vmem>>
        %dma_start3A_211 = arith.constant 0 : i32
        %dma_start3A_212 = tpu.memref_slice %arg4[%add3A_206, %dma_start3A_211] : memref<320000x128xf32, #tpu.memory_space<hbm>> -> memref<40x128xf32, #tpu.memory_space<hbm>>
        %dma_start3A_213 = arith.constant 0 : i32
        %dma_start3A_214 = tpu.memref_slice %arg4[%add3A_206, %dma_start3A_213] : memref<320000x128xf32, #tpu.memory_space<hbm>> -> memref<40x128xf32, #tpu.memory_space<hbm>>
        %dma_start3A_215 = arith.constant 0 : i32
        %dma_start3A_216 = arith.constant 0 : i32
        %dma_start3A_217 = tpu.memref_slice %arg8[%dma_start3A, %dma_start3A_215, %dma_start3A_216] : memref<5x40x128xf32, #tpu.memory_space<vmem>> -> memref<1x40x128xf32, #tpu.memory_space<vmem>>
        %dma_start3A_218 = tpu.memref_squeeze %dma_start3A_217 : memref<1x40x128xf32, #tpu.memory_space<vmem>> -> memref<40x128xf32, #tpu.memory_space<vmem>>
        tpu.enqueue_dma source(%dma_start3A_218 : memref<40x128xf32, #tpu.memory_space<vmem>>) target(%dma_start3A_214 : memref<40x128xf32, #tpu.memory_space<hbm>>) target_semaphore(%arg9 : memref<!tpu.dma_semaphore, #tpu.memory_space<semaphore_mem>>)
      } else {
      }
      %mul3A_116 = arith.constant 5 : i32
      %mul3A_117 = arith.muli %scan3A_13, %mul3A_116 : i32
      %add3A_118 = arith.constant 3 : i32
      %add3A_119 = arith.addi %mul3A_117, %add3A_118 : i32
      %ge3A_120 = arith.constant 5 : i32
      %ge3A_121 = arith.cmpi sge, %add3A_119, %ge3A_120 : i32
      %sub3A_122 = arith.constant 5 : i32
      %sub3A_123 = arith.subi %add3A_119, %sub3A_122 : i32
      %lt3A_124 = arith.constant 250 : i32
      %lt3A_125 = arith.cmpi slt, %sub3A_123, %lt3A_124 : i32
      %and3A_126 = arith.andi %ge3A_121, %lt3A_125 : i1
      %convert_element_type3A_127 = arith.extui %and3A_126 : i1 to i32
      %cond3A_128 = arith.constant 0 : i32
      %cond3A_129 = arith.cmpi ne, %convert_element_type3A_127, %cond3A_128 : i32
      scf.if %cond3A_129 {
        %dma_wait3A = arith.constant 3 : i32
        %dma_wait3A_187 = arith.constant 0 : i32
        %dma_wait3A_188 = arith.constant 0 : i32
        %dma_wait3A_189 = tpu.memref_slice %arg8[%dma_wait3A, %dma_wait3A_187, %dma_wait3A_188] : memref<5x40x128xf32, #tpu.memory_space<vmem>> -> memref<1x40x128xf32, #tpu.memory_space<vmem>>
        %dma_wait3A_190 = tpu.memref_squeeze %dma_wait3A_189 : memref<1x40x128xf32, #tpu.memory_space<vmem>> -> memref<40x128xf32, #tpu.memory_space<vmem>>
        %dma_wait3A_191 = arith.constant 0 : i32
        %dma_wait3A_192 = arith.constant 0 : i32
        %dma_wait3A_193 = tpu.memref_slice %arg4[%dma_wait3A_191, %dma_wait3A_192] : memref<320000x128xf32, #tpu.memory_space<hbm>> -> memref<40x128xf32, #tpu.memory_space<hbm>>
        %dma_wait3A_194 = arith.constant 0 : i32
        %dma_wait3A_195 = arith.constant 0 : i32
        %dma_wait3A_196 = tpu.memref_slice %arg4[%dma_wait3A_194, %dma_wait3A_195] : memref<320000x128xf32, #tpu.memory_space<hbm>> -> memref<40x128xf32, #tpu.memory_space<hbm>>
        %dma_wait3A_197 = arith.constant 0 : i32
        %dma_wait3A_198 = arith.constant 0 : i32
        %dma_wait3A_199 = tpu.memref_slice %arg8[%dma_wait3A, %dma_wait3A_197, %dma_wait3A_198] : memref<5x40x128xf32, #tpu.memory_space<vmem>> -> memref<1x40x128xf32, #tpu.memory_space<vmem>>
        %dma_wait3A_200 = tpu.memref_squeeze %dma_wait3A_199 : memref<1x40x128xf32, #tpu.memory_space<vmem>> -> memref<40x128xf32, #tpu.memory_space<vmem>>
        tpu.wait_dma2 semaphore(%arg12 : memref<!tpu.dma_semaphore, #tpu.memory_space<semaphore_mem>>) src(%dma_wait3A_200 : memref<40x128xf32, #tpu.memory_space<vmem>>) dst(%dma_wait3A_196 : memref<40x128xf32, #tpu.memory_space<hbm>>)
      } else {
      }
      %lt3A_130 = arith.constant 250 : i32
      %lt3A_131 = arith.cmpi slt, %add3A_119, %lt3A_130 : i32
      %convert_element_type3A_132 = arith.extui %lt3A_131 : i1 to i32
      %cond3A_133 = arith.constant 0 : i32
      %cond3A_134 = arith.cmpi ne, %convert_element_type3A_132, %cond3A_133 : i32
      scf.if %cond3A_134 {
        %mul3A_187 = arith.constant 40 : i32
        %mul3A_188 = arith.muli %add3A_119, %mul3A_187 : i32
        %multiple_of3A_189 = tpu.assume_multiple %mul3A_188, 40 : i32
        %dma_start3A = arith.constant 3 : i32
        %dma_start3A_190 = arith.constant 0 : i32
        %dma_start3A_191 = arith.constant 0 : i32
        %dma_start3A_192 = tpu.memref_slice %arg8[%dma_start3A, %dma_start3A_190, %dma_start3A_191] : memref<5x40x128xf32, #tpu.memory_space<vmem>> -> memref<1x40x128xf32, #tpu.memory_space<vmem>>
        %dma_start3A_193 = tpu.memref_squeeze %dma_start3A_192 : memref<1x40x128xf32, #tpu.memory_space<vmem>> -> memref<40x128xf32, #tpu.memory_space<vmem>>
        %dma_start3A_194 = tpu.memref_slice %arg6[%multiple_of3A_189] : memref<10000xi32, #tpu.memory_space<vmem>> -> memref<40xi32, #tpu.memory_space<vmem>>
        %dma_start3A_195 = arith.constant 0 : i32
        %dma_start3A_196 = arith.constant 0 : i32
        %dma_start3A_197 = tpu.memref_slice %arg5[%dma_start3A_195, %dma_start3A_196] : memref<10000x128xf32, #tpu.memory_space<vmem_shared>> -> memref<10000x128xf32, #tpu.memory_space<vmem_shared>>
        tpu.enqueue_indirect_dma source(%dma_start3A_197 : memref<10000x128xf32, #tpu.memory_space<vmem_shared>>) target(%dma_start3A_193 : memref<40x128xf32, #tpu.memory_space<vmem>>) offsets(%dma_start3A_194 : memref<40xi32, #tpu.memory_space<vmem>>) semaphore(%arg12 : memref<!tpu.dma_semaphore, #tpu.memory_space<semaphore_mem>>)
      } else {
      }
      %ge3A_135 = arith.constant 1 : i32
      %ge3A_136 = arith.cmpi sge, %add3A_119, %ge3A_135 : i32
      %le3A_137 = arith.constant 250 : i32
      %le3A_138 = arith.cmpi sle, %add3A_119, %le3A_137 : i32
      %and3A_139 = arith.andi %ge3A_136, %le3A_138 : i1
      %convert_element_type3A_140 = arith.extui %and3A_139 : i1 to i32
      %cond3A_141 = arith.constant 0 : i32
      %cond3A_142 = arith.cmpi ne, %convert_element_type3A_140, %cond3A_141 : i32
      scf.if %cond3A_142 {
        %sub3A_187 = arith.constant 1 : i32
        %sub3A_188 = arith.subi %add3A_119, %sub3A_187 : i32
        %mul3A_189 = arith.constant 40 : i32
        %mul3A_190 = arith.muli %sub3A_188, %mul3A_189 : i32
        %multiple_of3A_191 = tpu.assume_multiple %mul3A_190, 40 : i32
        %dma_wait3A = arith.constant 2 : i32
        %dma_wait3A_192 = arith.constant 0 : i32
        %dma_wait3A_193 = arith.constant 0 : i32
        %dma_wait3A_194 = tpu.memref_slice %arg8[%dma_wait3A, %dma_wait3A_192, %dma_wait3A_193] : memref<5x40x128xf32, #tpu.memory_space<vmem>> -> memref<1x40x128xf32, #tpu.memory_space<vmem>>
        %dma_wait3A_195 = tpu.memref_squeeze %dma_wait3A_194 : memref<1x40x128xf32, #tpu.memory_space<vmem>> -> memref<40x128xf32, #tpu.memory_space<vmem>>
        %dma_wait3A_196 = arith.constant 0 : i32
        %dma_wait3A_197 = arith.constant 0 : i32
        %dma_wait3A_198 = tpu.memref_slice %arg2[%dma_wait3A_196, %dma_wait3A_197] : memref<10000x128xf32, #tpu.memory_space<hbm>> -> memref<40x128xf32, #tpu.memory_space<hbm>>
        %dma_wait3A_199 = arith.constant 0 : i32
        %dma_wait3A_200 = arith.constant 0 : i32
        %dma_wait3A_201 = tpu.memref_slice %arg8[%dma_wait3A, %dma_wait3A_199, %dma_wait3A_200] : memref<5x40x128xf32, #tpu.memory_space<vmem>> -> memref<1x40x128xf32, #tpu.memory_space<vmem>>
        %dma_wait3A_202 = tpu.memref_squeeze %dma_wait3A_201 : memref<1x40x128xf32, #tpu.memory_space<vmem>> -> memref<40x128xf32, #tpu.memory_space<vmem>>
        %dma_wait3A_203 = arith.constant 0 : i32
        %dma_wait3A_204 = arith.constant 0 : i32
        %dma_wait3A_205 = tpu.memref_slice %arg2[%dma_wait3A_203, %dma_wait3A_204] : memref<10000x128xf32, #tpu.memory_space<hbm>> -> memref<40x128xf32, #tpu.memory_space<hbm>>
        tpu.wait_dma2 semaphore(%arg11 : memref<!tpu.dma_semaphore, #tpu.memory_space<semaphore_mem>>) src(%dma_wait3A_205 : memref<40x128xf32, #tpu.memory_space<hbm>>) dst(%dma_wait3A_202 : memref<40x128xf32, #tpu.memory_space<vmem>>)
        %dma_start3A = arith.constant 2 : i32
        %dma_start3A_206 = arith.constant 0 : i32
        %dma_start3A_207 = arith.constant 0 : i32
        %dma_start3A_208 = tpu.memref_slice %arg8[%dma_start3A, %dma_start3A_206, %dma_start3A_207] : memref<5x40x128xf32, #tpu.memory_space<vmem>> -> memref<1x40x128xf32, #tpu.memory_space<vmem>>
        %dma_start3A_209 = tpu.memref_squeeze %dma_start3A_208 : memref<1x40x128xf32, #tpu.memory_space<vmem>> -> memref<40x128xf32, #tpu.memory_space<vmem>>
        %dma_start3A_210 = tpu.memref_slice %arg7[%multiple_of3A_191] : memref<10000xi32, #tpu.memory_space<vmem>> -> memref<40xi32, #tpu.memory_space<vmem>>
        %dma_start3A_211 = arith.constant 0 : i32
        %dma_start3A_212 = arith.constant 0 : i32
        %dma_start3A_213 = tpu.memref_slice %arg5[%dma_start3A_211, %dma_start3A_212] : memref<10000x128xf32, #tpu.memory_space<vmem_shared>> -> memref<10000x128xf32, #tpu.memory_space<vmem_shared>>
        tpu.enqueue_indirect_dma source(%dma_start3A_213 : memref<10000x128xf32, #tpu.memory_space<vmem_shared>>) target(%dma_start3A_209 : memref<40x128xf32, #tpu.memory_space<vmem>>) offsets(%dma_start3A_210 : memref<40xi32, #tpu.memory_space<vmem>>) semaphore(%arg11 : memref<!tpu.dma_semaphore, #tpu.memory_space<semaphore_mem>>) {add = true}
      } else {
      }
      %ge3A_143 = arith.constant 2 : i32
      %ge3A_144 = arith.cmpi sge, %add3A_119, %ge3A_143 : i32
      %le3A_145 = arith.constant 251 : i32
      %le3A_146 = arith.cmpi sle, %add3A_119, %le3A_145 : i32
      %and3A_147 = arith.andi %ge3A_144, %le3A_146 : i1
      %convert_element_type3A_148 = arith.extui %and3A_147 : i1 to i32
      %cond3A_149 = arith.constant 0 : i32
      %cond3A_150 = arith.cmpi ne, %convert_element_type3A_148, %cond3A_149 : i32
      scf.if %cond3A_150 {
        %sub3A_187 = arith.constant 2 : i32
        %sub3A_188 = arith.subi %add3A_119, %sub3A_187 : i32
        %mul3A_189 = arith.constant 40 : i32
        %mul3A_190 = arith.muli %sub3A_188, %mul3A_189 : i32
        %multiple_of3A_191 = tpu.assume_multiple %mul3A_190, 40 : i32
        %dma_wait3A = arith.constant 1 : i32
        %dma_wait3A_192 = arith.constant 0 : i32
        %dma_wait3A_193 = arith.constant 0 : i32
        %dma_wait3A_194 = tpu.memref_slice %arg8[%dma_wait3A, %dma_wait3A_192, %dma_wait3A_193] : memref<5x40x128xf32, #tpu.memory_space<vmem>> -> memref<1x40x128xf32, #tpu.memory_space<vmem>>
        %dma_wait3A_195 = tpu.memref_squeeze %dma_wait3A_194 : memref<1x40x128xf32, #tpu.memory_space<vmem>> -> memref<40x128xf32, #tpu.memory_space<vmem>>
        %dma_wait3A_196 = arith.constant 0 : i32
        %dma_wait3A_197 = arith.constant 0 : i32
        %dma_wait3A_198 = tpu.memref_slice %arg2[%dma_wait3A_196, %dma_wait3A_197] : memref<10000x128xf32, #tpu.memory_space<hbm>> -> memref<40x128xf32, #tpu.memory_space<hbm>>
        %dma_wait3A_199 = arith.constant 0 : i32
        %dma_wait3A_200 = arith.constant 0 : i32
        %dma_wait3A_201 = tpu.memref_slice %arg8[%dma_wait3A, %dma_wait3A_199, %dma_wait3A_200] : memref<5x40x128xf32, #tpu.memory_space<vmem>> -> memref<1x40x128xf32, #tpu.memory_space<vmem>>
        %dma_wait3A_202 = tpu.memref_squeeze %dma_wait3A_201 : memref<1x40x128xf32, #tpu.memory_space<vmem>> -> memref<40x128xf32, #tpu.memory_space<vmem>>
        %dma_wait3A_203 = arith.constant 0 : i32
        %dma_wait3A_204 = arith.constant 0 : i32
        %dma_wait3A_205 = tpu.memref_slice %arg2[%dma_wait3A_203, %dma_wait3A_204] : memref<10000x128xf32, #tpu.memory_space<hbm>> -> memref<40x128xf32, #tpu.memory_space<hbm>>
        tpu.wait_dma2 semaphore(%arg10 : memref<!tpu.dma_semaphore, #tpu.memory_space<semaphore_mem>>) src(%dma_wait3A_205 : memref<40x128xf32, #tpu.memory_space<hbm>>) dst(%dma_wait3A_202 : memref<40x128xf32, #tpu.memory_space<vmem>>)
        %add3A_206 = arith.addi %multiple_of3A, %multiple_of3A_191 : i32
        %dma_start3A = arith.constant 1 : i32
        %dma_start3A_207 = arith.constant 0 : i32
        %dma_start3A_208 = arith.constant 0 : i32
        %dma_start3A_209 = tpu.memref_slice %arg8[%dma_start3A, %dma_start3A_207, %dma_start3A_208] : memref<5x40x128xf32, #tpu.memory_space<vmem>> -> memref<1x40x128xf32, #tpu.memory_space<vmem>>
        %dma_start3A_210 = tpu.memref_squeeze %dma_start3A_209 : memref<1x40x128xf32, #tpu.memory_space<vmem>> -> memref<40x128xf32, #tpu.memory_space<vmem>>
        %dma_start3A_211 = arith.constant 0 : i32
        %dma_start3A_212 = tpu.memref_slice %arg4[%add3A_206, %dma_start3A_211] : memref<320000x128xf32, #tpu.memory_space<hbm>> -> memref<40x128xf32, #tpu.memory_space<hbm>>
        %dma_start3A_213 = arith.constant 0 : i32
        %dma_start3A_214 = tpu.memref_slice %arg4[%add3A_206, %dma_start3A_213] : memref<320000x128xf32, #tpu.memory_space<hbm>> -> memref<40x128xf32, #tpu.memory_space<hbm>>
        %dma_start3A_215 = arith.constant 0 : i32
        %dma_start3A_216 = arith.constant 0 : i32
        %dma_start3A_217 = tpu.memref_slice %arg8[%dma_start3A, %dma_start3A_215, %dma_start3A_216] : memref<5x40x128xf32, #tpu.memory_space<vmem>> -> memref<1x40x128xf32, #tpu.memory_space<vmem>>
        %dma_start3A_218 = tpu.memref_squeeze %dma_start3A_217 : memref<1x40x128xf32, #tpu.memory_space<vmem>> -> memref<40x128xf32, #tpu.memory_space<vmem>>
        tpu.enqueue_dma source(%dma_start3A_218 : memref<40x128xf32, #tpu.memory_space<vmem>>) target(%dma_start3A_214 : memref<40x128xf32, #tpu.memory_space<hbm>>) target_semaphore(%arg10 : memref<!tpu.dma_semaphore, #tpu.memory_space<semaphore_mem>>)
      } else {
      }
      %mul3A_151 = arith.constant 5 : i32
      %mul3A_152 = arith.muli %scan3A_13, %mul3A_151 : i32
      %add3A_153 = arith.constant 4 : i32
      %add3A_154 = arith.addi %mul3A_152, %add3A_153 : i32
      %ge3A_155 = arith.constant 5 : i32
      %ge3A_156 = arith.cmpi sge, %add3A_154, %ge3A_155 : i32
      %sub3A_157 = arith.constant 5 : i32
      %sub3A_158 = arith.subi %add3A_154, %sub3A_157 : i32
      %lt3A_159 = arith.constant 250 : i32
      %lt3A_160 = arith.cmpi slt, %sub3A_158, %lt3A_159 : i32
      %and3A_161 = arith.andi %ge3A_156, %lt3A_160 : i1
      %convert_element_type3A_162 = arith.extui %and3A_161 : i1 to i32
      %cond3A_163 = arith.constant 0 : i32
      %cond3A_164 = arith.cmpi ne, %convert_element_type3A_162, %cond3A_163 : i32
      scf.if %cond3A_164 {
        %dma_wait3A = arith.constant 4 : i32
        %dma_wait3A_187 = arith.constant 0 : i32
        %dma_wait3A_188 = arith.constant 0 : i32
        %dma_wait3A_189 = tpu.memref_slice %arg8[%dma_wait3A, %dma_wait3A_187, %dma_wait3A_188] : memref<5x40x128xf32, #tpu.memory_space<vmem>> -> memref<1x40x128xf32, #tpu.memory_space<vmem>>
        %dma_wait3A_190 = tpu.memref_squeeze %dma_wait3A_189 : memref<1x40x128xf32, #tpu.memory_space<vmem>> -> memref<40x128xf32, #tpu.memory_space<vmem>>
        %dma_wait3A_191 = arith.constant 0 : i32
        %dma_wait3A_192 = arith.constant 0 : i32
        %dma_wait3A_193 = tpu.memref_slice %arg4[%dma_wait3A_191, %dma_wait3A_192] : memref<320000x128xf32, #tpu.memory_space<hbm>> -> memref<40x128xf32, #tpu.memory_space<hbm>>
        %dma_wait3A_194 = arith.constant 0 : i32
        %dma_wait3A_195 = arith.constant 0 : i32
        %dma_wait3A_196 = tpu.memref_slice %arg4[%dma_wait3A_194, %dma_wait3A_195] : memref<320000x128xf32, #tpu.memory_space<hbm>> -> memref<40x128xf32, #tpu.memory_space<hbm>>
        %dma_wait3A_197 = arith.constant 0 : i32
        %dma_wait3A_198 = arith.constant 0 : i32
        %dma_wait3A_199 = tpu.memref_slice %arg8[%dma_wait3A, %dma_wait3A_197, %dma_wait3A_198] : memref<5x40x128xf32, #tpu.memory_space<vmem>> -> memref<1x40x128xf32, #tpu.memory_space<vmem>>
        %dma_wait3A_200 = tpu.memref_squeeze %dma_wait3A_199 : memref<1x40x128xf32, #tpu.memory_space<vmem>> -> memref<40x128xf32, #tpu.memory_space<vmem>>
        tpu.wait_dma2 semaphore(%arg13 : memref<!tpu.dma_semaphore, #tpu.memory_space<semaphore_mem>>) src(%dma_wait3A_200 : memref<40x128xf32, #tpu.memory_space<vmem>>) dst(%dma_wait3A_196 : memref<40x128xf32, #tpu.memory_space<hbm>>)
      } else {
      }
      %lt3A_165 = arith.constant 250 : i32
      %lt3A_166 = arith.cmpi slt, %add3A_154, %lt3A_165 : i32
      %convert_element_type3A_167 = arith.extui %lt3A_166 : i1 to i32
      %cond3A_168 = arith.constant 0 : i32
      %cond3A_169 = arith.cmpi ne, %convert_element_type3A_167, %cond3A_168 : i32
      scf.if %cond3A_169 {
        %mul3A_187 = arith.constant 40 : i32
        %mul3A_188 = arith.muli %add3A_154, %mul3A_187 : i32
        %multiple_of3A_189 = tpu.assume_multiple %mul3A_188, 40 : i32
        %dma_start3A = arith.constant 4 : i32
        %dma_start3A_190 = arith.constant 0 : i32
        %dma_start3A_191 = arith.constant 0 : i32
        %dma_start3A_192 = tpu.memref_slice %arg8[%dma_start3A, %dma_start3A_190, %dma_start3A_191] : memref<5x40x128xf32, #tpu.memory_space<vmem>> -> memref<1x40x128xf32, #tpu.memory_space<vmem>>
        %dma_start3A_193 = tpu.memref_squeeze %dma_start3A_192 : memref<1x40x128xf32, #tpu.memory_space<vmem>> -> memref<40x128xf32, #tpu.memory_space<vmem>>
        %dma_start3A_194 = tpu.memref_slice %arg6[%multiple_of3A_189] : memref<10000xi32, #tpu.memory_space<vmem>> -> memref<40xi32, #tpu.memory_space<vmem>>
        %dma_start3A_195 = arith.constant 0 : i32
        %dma_start3A_196 = arith.constant 0 : i32
        %dma_start3A_197 = tpu.memref_slice %arg5[%dma_start3A_195, %dma_start3A_196] : memref<10000x128xf32, #tpu.memory_space<vmem_shared>> -> memref<10000x128xf32, #tpu.memory_space<vmem_shared>>
        tpu.enqueue_indirect_dma source(%dma_start3A_197 : memref<10000x128xf32, #tpu.memory_space<vmem_shared>>) target(%dma_start3A_193 : memref<40x128xf32, #tpu.memory_space<vmem>>) offsets(%dma_start3A_194 : memref<40xi32, #tpu.memory_space<vmem>>) semaphore(%arg13 : memref<!tpu.dma_semaphore, #tpu.memory_space<semaphore_mem>>)
      } else {
      }
      %ge3A_170 = arith.constant 1 : i32
      %ge3A_171 = arith.cmpi sge, %add3A_154, %ge3A_170 : i32
      %le3A_172 = arith.constant 250 : i32
      %le3A_173 = arith.cmpi sle, %add3A_154, %le3A_172 : i32
      %and3A_174 = arith.andi %ge3A_171, %le3A_173 : i1
      %convert_element_type3A_175 = arith.extui %and3A_174 : i1 to i32
      %cond3A_176 = arith.constant 0 : i32
      %cond3A_177 = arith.cmpi ne, %convert_element_type3A_175, %cond3A_176 : i32
      scf.if %cond3A_177 {
        %sub3A_187 = arith.constant 1 : i32
        %sub3A_188 = arith.subi %add3A_154, %sub3A_187 : i32
        %mul3A_189 = arith.constant 40 : i32
        %mul3A_190 = arith.muli %sub3A_188, %mul3A_189 : i32
        %multiple_of3A_191 = tpu.assume_multiple %mul3A_190, 40 : i32
        %dma_wait3A = arith.constant 3 : i32
        %dma_wait3A_192 = arith.constant 0 : i32
        %dma_wait3A_193 = arith.constant 0 : i32
        %dma_wait3A_194 = tpu.memref_slice %arg8[%dma_wait3A, %dma_wait3A_192, %dma_wait3A_193] : memref<5x40x128xf32, #tpu.memory_space<vmem>> -> memref<1x40x128xf32, #tpu.memory_space<vmem>>
        %dma_wait3A_195 = tpu.memref_squeeze %dma_wait3A_194 : memref<1x40x128xf32, #tpu.memory_space<vmem>> -> memref<40x128xf32, #tpu.memory_space<vmem>>
        %dma_wait3A_196 = arith.constant 0 : i32
        %dma_wait3A_197 = arith.constant 0 : i32
        %dma_wait3A_198 = tpu.memref_slice %arg2[%dma_wait3A_196, %dma_wait3A_197] : memref<10000x128xf32, #tpu.memory_space<hbm>> -> memref<40x128xf32, #tpu.memory_space<hbm>>
        %dma_wait3A_199 = arith.constant 0 : i32
        %dma_wait3A_200 = arith.constant 0 : i32
        %dma_wait3A_201 = tpu.memref_slice %arg8[%dma_wait3A, %dma_wait3A_199, %dma_wait3A_200] : memref<5x40x128xf32, #tpu.memory_space<vmem>> -> memref<1x40x128xf32, #tpu.memory_space<vmem>>
        %dma_wait3A_202 = tpu.memref_squeeze %dma_wait3A_201 : memref<1x40x128xf32, #tpu.memory_space<vmem>> -> memref<40x128xf32, #tpu.memory_space<vmem>>
        %dma_wait3A_203 = arith.constant 0 : i32
        %dma_wait3A_204 = arith.constant 0 : i32
        %dma_wait3A_205 = tpu.memref_slice %arg2[%dma_wait3A_203, %dma_wait3A_204] : memref<10000x128xf32, #tpu.memory_space<hbm>> -> memref<40x128xf32, #tpu.memory_space<hbm>>
        tpu.wait_dma2 semaphore(%arg12 : memref<!tpu.dma_semaphore, #tpu.memory_space<semaphore_mem>>) src(%dma_wait3A_205 : memref<40x128xf32, #tpu.memory_space<hbm>>) dst(%dma_wait3A_202 : memref<40x128xf32, #tpu.memory_space<vmem>>)
        %dma_start3A = arith.constant 3 : i32
        %dma_start3A_206 = arith.constant 0 : i32
        %dma_start3A_207 = arith.constant 0 : i32
        %dma_start3A_208 = tpu.memref_slice %arg8[%dma_start3A, %dma_start3A_206, %dma_start3A_207] : memref<5x40x128xf32, #tpu.memory_space<vmem>> -> memref<1x40x128xf32, #tpu.memory_space<vmem>>
        %dma_start3A_209 = tpu.memref_squeeze %dma_start3A_208 : memref<1x40x128xf32, #tpu.memory_space<vmem>> -> memref<40x128xf32, #tpu.memory_space<vmem>>
        %dma_start3A_210 = tpu.memref_slice %arg7[%multiple_of3A_191] : memref<10000xi32, #tpu.memory_space<vmem>> -> memref<40xi32, #tpu.memory_space<vmem>>
        %dma_start3A_211 = arith.constant 0 : i32
        %dma_start3A_212 = arith.constant 0 : i32
        %dma_start3A_213 = tpu.memref_slice %arg5[%dma_start3A_211, %dma_start3A_212] : memref<10000x128xf32, #tpu.memory_space<vmem_shared>> -> memref<10000x128xf32, #tpu.memory_space<vmem_shared>>
        tpu.enqueue_indirect_dma source(%dma_start3A_213 : memref<10000x128xf32, #tpu.memory_space<vmem_shared>>) target(%dma_start3A_209 : memref<40x128xf32, #tpu.memory_space<vmem>>) offsets(%dma_start3A_210 : memref<40xi32, #tpu.memory_space<vmem>>) semaphore(%arg12 : memref<!tpu.dma_semaphore, #tpu.memory_space<semaphore_mem>>) {add = true}
      } else {
      }
      %ge3A_178 = arith.constant 2 : i32
      %ge3A_179 = arith.cmpi sge, %add3A_154, %ge3A_178 : i32
      %le3A_180 = arith.constant 251 : i32
      %le3A_181 = arith.cmpi sle, %add3A_154, %le3A_180 : i32
      %and3A_182 = arith.andi %ge3A_179, %le3A_181 : i1
      %convert_element_type3A_183 = arith.extui %and3A_182 : i1 to i32
      %cond3A_184 = arith.constant 0 : i32
      %cond3A_185 = arith.cmpi ne, %convert_element_type3A_183, %cond3A_184 : i32
      scf.if %cond3A_185 {
        %sub3A_187 = arith.constant 2 : i32
        %sub3A_188 = arith.subi %add3A_154, %sub3A_187 : i32
        %mul3A_189 = arith.constant 40 : i32
        %mul3A_190 = arith.muli %sub3A_188, %mul3A_189 : i32
        %multiple_of3A_191 = tpu.assume_multiple %mul3A_190, 40 : i32
        %dma_wait3A = arith.constant 2 : i32
        %dma_wait3A_192 = arith.constant 0 : i32
        %dma_wait3A_193 = arith.constant 0 : i32
        %dma_wait3A_194 = tpu.memref_slice %arg8[%dma_wait3A, %dma_wait3A_192, %dma_wait3A_193] : memref<5x40x128xf32, #tpu.memory_space<vmem>> -> memref<1x40x128xf32, #tpu.memory_space<vmem>>
        %dma_wait3A_195 = tpu.memref_squeeze %dma_wait3A_194 : memref<1x40x128xf32, #tpu.memory_space<vmem>> -> memref<40x128xf32, #tpu.memory_space<vmem>>
        %dma_wait3A_196 = arith.constant 0 : i32
        %dma_wait3A_197 = arith.constant 0 : i32
        %dma_wait3A_198 = tpu.memref_slice %arg2[%dma_wait3A_196, %dma_wait3A_197] : memref<10000x128xf32, #tpu.memory_space<hbm>> -> memref<40x128xf32, #tpu.memory_space<hbm>>
        %dma_wait3A_199 = arith.constant 0 : i32
        %dma_wait3A_200 = arith.constant 0 : i32
        %dma_wait3A_201 = tpu.memref_slice %arg8[%dma_wait3A, %dma_wait3A_199, %dma_wait3A_200] : memref<5x40x128xf32, #tpu.memory_space<vmem>> -> memref<1x40x128xf32, #tpu.memory_space<vmem>>
        %dma_wait3A_202 = tpu.memref_squeeze %dma_wait3A_201 : memref<1x40x128xf32, #tpu.memory_space<vmem>> -> memref<40x128xf32, #tpu.memory_space<vmem>>
        %dma_wait3A_203 = arith.constant 0 : i32
        %dma_wait3A_204 = arith.constant 0 : i32
        %dma_wait3A_205 = tpu.memref_slice %arg2[%dma_wait3A_203, %dma_wait3A_204] : memref<10000x128xf32, #tpu.memory_space<hbm>> -> memref<40x128xf32, #tpu.memory_space<hbm>>
        tpu.wait_dma2 semaphore(%arg11 : memref<!tpu.dma_semaphore, #tpu.memory_space<semaphore_mem>>) src(%dma_wait3A_205 : memref<40x128xf32, #tpu.memory_space<hbm>>) dst(%dma_wait3A_202 : memref<40x128xf32, #tpu.memory_space<vmem>>)
        %add3A_206 = arith.addi %multiple_of3A, %multiple_of3A_191 : i32
        %dma_start3A = arith.constant 2 : i32
        %dma_start3A_207 = arith.constant 0 : i32
        %dma_start3A_208 = arith.constant 0 : i32
        %dma_start3A_209 = tpu.memref_slice %arg8[%dma_start3A, %dma_start3A_207, %dma_start3A_208] : memref<5x40x128xf32, #tpu.memory_space<vmem>> -> memref<1x40x128xf32, #tpu.memory_space<vmem>>
        %dma_start3A_210 = tpu.memref_squeeze %dma_start3A_209 : memref<1x40x128xf32, #tpu.memory_space<vmem>> -> memref<40x128xf32, #tpu.memory_space<vmem>>
        %dma_start3A_211 = arith.constant 0 : i32
        %dma_start3A_212 = tpu.memref_slice %arg4[%add3A_206, %dma_start3A_211] : memref<320000x128xf32, #tpu.memory_space<hbm>> -> memref<40x128xf32, #tpu.memory_space<hbm>>
        %dma_start3A_213 = arith.constant 0 : i32
        %dma_start3A_214 = tpu.memref_slice %arg4[%add3A_206, %dma_start3A_213] : memref<320000x128xf32, #tpu.memory_space<hbm>> -> memref<40x128xf32, #tpu.memory_space<hbm>>
        %dma_start3A_215 = arith.constant 0 : i32
        %dma_start3A_216 = arith.constant 0 : i32
        %dma_start3A_217 = tpu.memref_slice %arg8[%dma_start3A, %dma_start3A_215, %dma_start3A_216] : memref<5x40x128xf32, #tpu.memory_space<vmem>> -> memref<1x40x128xf32, #tpu.memory_space<vmem>>
        %dma_start3A_218 = tpu.memref_squeeze %dma_start3A_217 : memref<1x40x128xf32, #tpu.memory_space<vmem>> -> memref<40x128xf32, #tpu.memory_space<vmem>>
        tpu.enqueue_dma source(%dma_start3A_218 : memref<40x128xf32, #tpu.memory_space<vmem>>) target(%dma_start3A_214 : memref<40x128xf32, #tpu.memory_space<hbm>>) target_semaphore(%arg11 : memref<!tpu.dma_semaphore, #tpu.memory_space<semaphore_mem>>)
      } else {
      }
      %scan3A_186 = arith.constant 0 : i32
      scf.yield %scan3A_186 : i32
    }
    %scan3A_12 = arith.constant 52 : i32
    return
  }
}

</mosaic_0001>

<sc_bundles>
// kernel: kernel.3.cloned.1.call-start
scs
__scs_entry_jumppad:
0x0: {  	(pc) =	sbr.rel $0x88, $3  }
0x1: {  	(tag) =	ssettag $0x0;
	lr =	simm.s32 $0x1  }
0x2: {  	[smem:$0x3F9F] =	sst lr;
	_ =	strace $0xD0000000  }
0x3: {  	_ = 	snop  }
0x4: {  	_ = 	snop  }
0x5: {  	_ = 	snop  }
0x6: {  	_ = 	snop  }
0x7: {  	_ = 	snop  }
__scs_overlays_trampoline_lowered:
0x8: {  	[smem:$0x3FAE] =	sst s0  }
0x9: {  	[smem:$0x3FAF] =	sst s1  }
0xa: {  	[smem:$0x3FB0] =	sst s2  }
0xb: {  	[smem:$0x3FB1] =	sst s3  }
0xc: {  	[smem:$0x3FB2] =	sst s4  }
0xd: {  	[smem:$0x3FB3] =	sst s5  }
0xe: {  	[smem:$0x3FB4] =	sst s6  }
0xf: {  	[smem:$0x3FB5] =	sst s7  }
0x10: {  	[smem:$0x3FB6] =	sst s8  }
0x11: {  	[smem:$0x3FB7] =	sst s9;
	s0 =	simm.s32 @!p0 $0x0  }
0x12: {  	s1 =	sld [smem:$0x3F9D];
	s0 =	simm.s32 @p0 $0x1  }
0x13: {  	[smem:$0x3FB8] =	sst s0;
	s0 =	simm.s32 @!p1 $0x0  }
0x14: {  	s2 =	sld [smem:$0x3F9C];
	s0 =	simm.s32 @p1 $0x1  }
0x15: {  	[smem:$0x3FB9] =	sst s0;
	s0 =	simm.s32 @!p2 $0x0  }
0x16: {  	s3 =	sld [smem:$0x3FDB];
	s0 =	simm.s32 @p2 $0x1  }
0x17: {  	s4 =	simm.s32 $0x1BF5;
	[smem:$0x3FBB] =	sst s0  }
0x18: {  	s0 =	sld [smem:$0x3F9E];
	_ =	swait.ge [sflag:s4], $0x0  }
0x19: {  	s7 =	sld [smem:$0x3F9F]  }
0x1a: {  	s8 =	sadd.s32 $0xFFFFE003, lr  }
0x1b: {  	s9 =	sadd.s32 $0xFFFFFEF7, lr;
	s5 =	simm.s32 $0xFFFFFFFF;
	p2 =	slt.u32 s8, $0xFFFFF086  }
0x1c: {  	p1 =	slt.u32 s9, $0xF7A;
	s5 =	simm.s32 @!p2 $0x0  }
0x1d: {  	s5 =	simm.s32 @p1 $0x1;
	p0 =	seq.s32 s7, s2  }
0x1e: {  	s7 =	smul.u32 @!p0 $0xF7A, s2;
	p2 =	seq.s32 @!p0 s5, $0x0  }
0x1f: {  	s9 =	smul.u32 $0xF7A, s1;
	s8 =	simm.s32 @!p0 $0x1BF5;
	p2 =	por !p2, p0  }
0x20: {  	[sflag:s8] =	ssyncset.s32 @!p0 $0xFFFFF086;
	s6 =	sadd.s32 @!p0 s3, s7;
	s7 =	simm.s32 @!p0 $0x108  }
0x21: {  	s3 =	sadd.s32 s3, s9;
	s6 =	sadd.s32 @!p0 $0x88, s6;
	s7 =	simm.s32 @p2 $0x1082  }
0x22: {  	[simem:s7], [sflag:s8] =	dma.local @!p0 [hbm:s6], $0xF7A  }
0x23: {  	s9 =	sor.u32 $0xD0000000, s2;
	s6 =	simm.s32 $0x108;
	_ =	swait.ge @!p0 [sflag:s8], $0x0  }
0x24: {  	s3 =	sadd.s32 $0x88, s3;
	s6 =	simm.s32 @!p1 $0x1082;
	[sflag:s4] =	ssyncset.s32 $0xFFFFF086  }
0x25: {  	[simem:s6], [sflag:s4] =	dma.local [hbm:s3], $0xF7A  }
0x26: {  	[smem:$0x3F9F] =	sst s1;
	(tag) =	ssettag s2;
	_ =	strace s9  }
0x27: {  	s1 =	sld [smem:$0x3FAF]  }
0x28: {  	s2 =	sld [smem:$0x3FB0]  }
0x29: {  	s4 =	sld [smem:$0x3FB2]  }
0x2a: {  	p0 =	seq.s32 s5, $0x0;
	s5 =	sld [smem:$0x3FB3]  }
0x2b: {  	s6 =	sld [smem:$0x3FB4]  }
0x2c: {  	s7 =	sld [smem:$0x3FB5]  }
0x2d: {  	s3 =	simm.s32 $0x108;
	s8 =	sld [smem:$0x3FB6]  }
0x2e: {  	s3 =	simm.s32 @!p0 $0x1082;
	s9 =	sld [smem:$0x3FB7]  }
0x2f: {  	lr =	sadd.s32 s0, s3;
	s0 =	sld [smem:$0x3FAE]  }
0x30: {  	s3 =	sld [smem:$0x3FB1]  }
0x31: {  	[smem:$0x3FBA] =	sst s10  }
0x32: {  	s10 =	sld [smem:$0x3FB8];
	_ =	sdelay $0x3  }
0x33: {  	p0 =	seq.s32 s10, $0x1;
	s10 =	sld [smem:$0x3FBA];
	_ =	sdelay $0x3  }
0x34: {  	[smem:$0x3FBA] =	sst s10  }
0x35: {  	s10 =	sld [smem:$0x3FB9];
	_ =	sdelay $0x3  }
0x36: {  	p1 =	seq.s32 s10, $0x1;
	s10 =	sld [smem:$0x3FBA];
	_ =	sdelay $0x3  }
0x37: {  	[smem:$0x3FBA] =	sst s10  }
0x38: {  	s10 =	sld [smem:$0x3FBB]  }
0x39: {  	_ = 	snop;
	(pc) =	sbr.ind lr, $3  }
0x3a: {  	_ = 	snop  }
0x3b: {  	_ = 	snop  }
0x3c: {  	p2 =	seq.s32 s10, $0x1;
	s10 =	sld [smem:$0x3FBA]  }
0x3d: {  	_ =	shalt  }
0x3e: {  	_ =	shalt  }
0x3f: {  	_ =	shalt  }
0x40: {  	_ =	shalt  }
0x41: {  	_ =	shalt  }
0x42: {  	_ =	shalt  }
0x43: {  	_ =	shalt  }
0x44: {  	_ =	shalt  }
0x45: {  	_ =	shalt  }
0x46: {  	_ =	shalt  }
0x47: {  	_ =	shalt  }
0x48: {  	_ =	shalt  }
0x49: {  	_ =	shalt  }
0x4a: {  	_ =	shalt  }
0x4b: {  	_ =	shalt  }
0x4c: {  	_ =	shalt  }
0x4d: {  	_ =	shalt  }
0x4e: {  	_ =	shalt  }
0x4f: {  	_ =	shalt  }
0x50: {  	_ =	shalt  }
0x51: {  	_ =	shalt  }
0x52: {  	_ =	shalt  }
0x53: {  	_ =	shalt  }
0x54: {  	_ =	shalt  }
0x55: {  	_ =	shalt  }
0x56: {  	_ =	shalt  }
0x57: {  	_ =	shalt  }
0x58: {  	_ =	shalt  }
0x59: {  	_ =	shalt  }
0x5a: {  	_ =	shalt  }
0x5b: {  	_ =	shalt  }
0x5c: {  	_ =	shalt  }
0x5d: {  	_ =	shalt  }
0x5e: {  	_ =	shalt  }
0x5f: {  	_ =	shalt  }
0x60: {  	_ =	shalt  }
0x61: {  	_ =	shalt  }
0x62: {  	_ =	shalt  }
0x63: {  	_ =	shalt  }
0x64: {  	_ =	shalt  }
0x65: {  	_ =	shalt  }
0x66: {  	_ =	shalt  }
0x67: {  	_ =	shalt  }
0x68: {  	_ =	shalt  }
0x69: {  	_ =	shalt  }
0x6a: {  	_ =	shalt  }
0x6b: {  	_ =	shalt  }
0x6c: {  	_ =	shalt  }
0x6d: {  	_ =	shalt  }
0x6e: {  	_ =	shalt  }
0x6f: {  	_ =	shalt  }
0x70: {  	_ =	shalt  }
0x71: {  	_ =	shalt  }
0x72: {  	_ =	shalt  }
0x73: {  	_ =	shalt  }
0x74: {  	_ =	shalt  }
0x75: {  	_ =	shalt  }
0x76: {  	_ =	shalt  }
0x77: {  	_ =	shalt  }
0x78: {  	_ =	shalt  }
0x79: {  	_ =	shalt  }
0x7a: {  	_ =	shalt  }
0x7b: {  	_ =	shalt  }
0x7c: {  	_ =	shalt  }
0x7d: {  	_ =	shalt  }
0x7e: {  	_ =	shalt  }
0x7f: {  	_ =	shalt  }
0x80: {  	_ =	shalt  }
0x81: {  	_ =	shalt  }
0x82: {  	_ =	shalt  }
0x83: {  	_ =	shalt  }
0x84: {  	_ =	shalt  }
0x85: {  	_ =	shalt  }
0x86: {  	_ =	shalt  }
0x87: {  	_ =	shalt  }
.Lfunc_end0:
.L_simem_size_0:
called_computation_lowered:
.L_overlay_start_0:
0x88: {  	s2 =	sld [smem:$0x3FD9]  }
0x89: {  	s3 =	sld [smem:$0x3FFE];
	_ =	sdelay $0x1  }
0x8a: {  	s1 =	srdreg.scid  }
0x8b: {  	s0 =	sand.u32 $0x1, s1  }
0x8c: {  	s17 =	sshll.u32 s0, $0xA;
	s2 =	sadd.s32 s3, s2  }
0x8d: {  	s2 =	sadd.s32 s2, s17  }
0x8e: {  	[smem:$0x3FC6] =	sst s2  }
0x8f: {  	_ = 	snop  }
0x90: {  	s2 =	sld [smem:$0x3FC9]  }
0x91: {  	s18 =	sld [smem:$0x3FD0];
	(tm) =	ssettm $0x1  }
0x92: {  	s4 =	sld [smem:$0x3FFB];
	_ =	sdelay $0x3  }
0x93: {  	_ =	strace s4  }
0x94: {  	s4 =	sld [smem:$0x3FFC];
	_ =	sdelay $0x3  }
0x95: {  	_ =	strace s4  }
0x96: {  	s4 =	sld [smem:$0x3FFD];
	_ =	sdelay $0x3  }
0x97: {  	_ =	strace s4  }
0x98: {  	_ =	strace $0x8FFFFFFF  }
0x99: {  	s19 =	sld [smem:$0x3FDB];
	_ =	sdelay $0x1  }
0x9a: {  	s5 =	simm.s32 $_scs_section_size  }
0x9b: {  	s6 =	simm.s32 $_size__tile_overlayer_lowered;
	s7 =	simm.s32 $_tile_overlayer_lowered  }
0x9c: {  	s22 =	simm.s32 $0x1BFF;
	s21 =	sshll.u32 s7, $0x1;
	s4 =	sadd.s32 s5, s19  }
0x9d: {  	s8 =	simm.s32 $0x0;
	s20 =	sshll.u32 s6, $0x1;
	s6 =	sadd.s32 s21, s4  }
0x9e: {  	[timem:s8], [sflag:s22] =	dma.local [hbm:s6], s20  }
0x9f: {  	_ =	swait.ge [sflag:s22], s20  }
0xa0: {  	s5 =	ssub.s32 $0x0, s20;
	[sflag:s22] =	ssyncset.done $0x0  }
0xa1: {  	[sflag:s22] =	ssyncadd.s32 s5;
	_ =	sdelay $0x1  }
0xa2: {  	s23 =	simm.s32 $0x1B8B  }
0xa3: {  	_ =	swait.ge [sflag:s23], $0x1  }
0xa4: {  	[sflag:s23] =	ssyncset.done $0x0  }
0xa5: {  	s25 =	simm.s32 $0x1B8E;
	s24 =	sld [smem:$0x3FFE];
	[sflag:s23] =	ssyncadd.s32 $0xFFFFFFFF  }
0xa6: {  	s26 =	simm.s32 $execute0_lowered;
	[smem:$0x3FD2] =	sst s25  }
0xa7: {  	s6 =	sshll.u32 s26, $0x1;
	_ =	strace $0x80000046;
	[dreg:$0x1] =	wrdreg $0xFFFFFFFF  }
0xa8: {  	s28 =	simm.s32 $_size_execute0_lowered;
	s4 =	sadd.s32 s4, s6;
	[dreg:$0x0] =	wrdreg $0x0  }
0xa9: {  	s6 =	sshll.u32 s28, $0x1;
	[dreg:$0x2] =	wrdreg s4  }
0xaa: {  	[dreg:$0x3] =	wrdreg s6  }
0xab: {  	[dreg:$0x4] =	wrdreg $0xC0  }
0xac: {  	_ =	task [dreg:s8], $0x5FFFF  }
0xad: {  	[dreg:$0x1] =	wrdreg $0xFFFFFFFF  }
0xae: {  	[dreg:$0x0] =	wrdreg $0x60  }
0xaf: {  	[dreg:$0x2] =	wrdreg s2  }
0xb0: {  	[dreg:$0x3] =	wrdreg s24  }
0xb1: {  	[dreg:$0x4] =	wrdreg s18  }
0xb2: {  	[dreg:$0x5] =	wrdreg $0x0  }
0xb3: {  	[dreg:$0x6] =	wrdreg $0x9  }
0xb4: {  	_ =	task.clear_ibuf [dreg:s8], $0x7FFFF;
	_ =	strace $0x90000046  }
0xb5: {  	s29 =	simm.s32 $0x9;
	_ =	strace $0x80000048  }
0xb6: {  	_ =	swait.ge [sflag:s29], $0x1  }
0xb7: {  	[sflag:s29] =	ssyncadd.s32 $0xFFFFFFFF  }
0xb8: {  	_ =	strace $0x90000048  }
0xb9: {  	_ =	sfence  }
0xba: {  	s30 =	sld [smem:$0x0];
	_ =	sdelay $0x2  }
0xbb: {  	s31 =	sshll.u32 s1, $0xD;
	s1 =	sshrl.u32 s1, $0x2  }
0xbc: {  	s3 =	sand.u32 $0x4000, s31;
	s1 =	sadd.s32 s1, s30  }
0xbd: {  	s0 =	sor.u32 s3, s0;
	s1 =	sshll.u32 s1, $0x11  }
0xbe: {  	s0 =	sor.u32 s1, s0  }
0xbf: {  	s0 =	sadd.s32 $0x8F2B, s0  }
0xc0: {  	[sflag:s0] =	ssyncadd.remote.s32 $0x1  }
0xc1: {  	_ =	sfence.sel $0xFFFF  }
0xc2: {  	[dreg:$0x0] =	wrdreg $0xFFFFFFFF;
	(pc) =	sbr.abs _section_cstart, $3  }
0xc3: {  	[dreg:$0x1] =	wrdreg $0xFFFFFFFF  }
0xc4: {  	_ =	task.clear_ibuf [dreg:s8], $0x2FFFF;
	_ =	strace $0x9FFFFFFF  }
0xc5: {  	(tm) =	ssettm $0x7FFFFFFF  }
tec
execute0_lowered:
.L_overlay_start_1:
0x0: {  	(tag) =	ssettag $0x1  }
0x1: {  	s0 =	rddreg [dreg:$0x0];
	s1 =	srdreg.scid  }
0x2: {  	s13 =	stileid.u32;
	s4 =	rddreg [dreg:$0x1]  }
0x3: {  	s2 =	rddreg [dreg:$0x2];
	s6 =	smul.u32 $0x3E800, s13  }
0x4: {  	s7 =	simm.s32 $0x0;
	s15 =	simm.s32 $0x0;
	s24 =	smul.u32 $0x4E200, s13  }
0x5: {  	s1 =	sand.u32 $0x1, s1;
	s3 =	sshll.u32 s13, $0x1;
	s9 =	smul.u32 $0x4E20, s13  }
0x6: {  	[smem:$0x7FF] =	sst s7;
	p0 =	sgt.u32 s13, $0x4;
	s11 =	smul.u32 $0x2710, s1  }
0x7: {  	s5 =	sor.u32 s1, s3;
	s8 =	ssub.s32 $0x2, s1;
	s1 =	smul.u32 $0x27100, s1  }
0x8: {  	s3 =	rddreg [dreg:$0x3];
	_ =	strace $0x80000047;
	s5 =	smul.u32 $0x2710, s5  }
0x9: {  	s10 =	sshrl.u32 s8, $0x1;
	s12 =	sadd.s32 s6, s3;
	s25 =	sshrl.u32 s6, $0x3  }
0xa: {  	s10 =	ssub.s32 s8, s10;
	s26 =	sadd.s32 s11, s9;
	s0 =	sadd.s32 s0, s25  }
0xb: {  	s6 =	sadd.s32 s1, s24;
	s11 =	sshrl.u32 @!p0 s12, $0x3;
	s5 =	sshrl.u32 s5, $0x3  }
0xc: {  	[dreg:$0x8] =	wrdreg s0;
	s30 =	sadd.s32 s2, s6;
	s4 =	sadd.s32 s5, s4  }
0xd: {  	s28 =	sshll.u32 s26, $0x4;
	[dreg:$0x5] =	wrdreg s30;
	s29 =	sadd.s32 $0x400, s4  }
0xe: {  	s0 =	sadd.s32 s2, s28;
	s4 =	sadd.s32 $0xA040, s4;
	[dreg:$0x9] =	wrdreg s29  }
0xf: {  	s31 =	sadd.s32 $0x500, s0;
	s0 =	sadd.s32 $0x280, s0;
	[dreg:$0xa] =	wrdreg s4  }
0x10: {  	s9 =	smax.u32 s10, $0x1;
	[dreg:$0x6] =	wrdreg s0;
	s0 =	sshll.u32 @!p0 s13, $0x6  }
0x11: {  	[dreg:$0x7] =	wrdreg s31;
	s13 =	simm.s32 $0x6;
	s10 =	sor.u32 @!p0 $0x1C06, s0  }
.LBB2_1:
0x12: {  	s0 =	rddreg [dreg:$0x8]  }
0x13: {  	[spmem:s11], [sflag:s10] =	dma.local @!p0 [hbm:s0], $0x7D00  }
0x14: {  	s0 =	simm.s32 @!p0 $0x6  }
0x15: {  	_ =	swait.ge @!p0 [sflag:s0], $0x7D00  }
0x16: {  	s29 =	simm.s32 $0x0;
	[sflag:s0] =	ssyncset.done @!p0 $0x0  }
0x17: {  	s4 =	simm.s32 $0x13880;
	s1 =	rddreg [dreg:$0x9];
	[sflag:s0] =	ssyncadd.s32 @!p0 $0xFFFF8300  }
0x18: {  	[tilespmem:s4], [sflag:$0x6] =	stream.linear.gather [hbm4b:s1+s29], $0x2710, $0x38;
	[tilespmem:$0x1EAA0] =	vst v63  }
0x19: {  	_ =	swait.ge [sflag:s13], $0x2710  }
0x1a: {  	[sflag:s13] =	ssyncset.done $0x0  }
0x1b: {  	s31 =	simm.s32 $0x15F90;
	s30 =	rddreg [dreg:$0xa];
	[sflag:s13] =	ssyncadd.s32 $0xFFFFD8F0  }
0x1c: {  	[tilespmem:s31], [sflag:$0x6] =	stream.linear.gather [hbm4b:s30+s29], $0x2710, $0x38;
	[tilespmem:$0x1EAA0] =	vst v63  }
0x1d: {  	_ =	swait.ge [sflag:s13], $0x2710  }
0x1e: {  	[sflag:s13] =	ssyncset.done $0x0  }
0x1f: {  	p1 =	por $0x1, $0x1;
	[sflag:s13] =	ssyncadd.s32 $0xFFFFD8F0  }
0x20: {  	p2 =	por $0x0, $0x0;
	s4 =	simm.s32 @!p1 $0x1;
	[bflag:$0x0] =	sbarrier.arrive $0xFFFF  }
0x21: {  	p3 =	por $0x1, $0x1;
	p4 =	por $0x1, $0x1;
	_ =	swait.ge @!p1 [sflag:s4], $0x1400  }
0x22: {  	s17 =	simm.s32 @!p2 $0x28;
	s14 =	simm.s32 @!p2 $0x13880;
	[sflag:s4] =	ssyncset.done @!p1 $0x0  }
0x23: {  	s0 =	simm.s32 @!p2 $0x186A0;
	s1 =	simm.s32 @!p3 $0x5;
	[sflag:s4] =	ssyncadd.s32 @!p1 $0xFFFFEC00  }
0x24: {  	[tilespmem:s0], [sflag:$0x1] =	stream.indirect.gather @!p2 [spmem:s3], $0x80, s14, s17, $0xb8;
	[tilespmem:$0x1EAA0] =	vst v63  }
0x25: {  	s12 =	simm.s32 @!p3 $0x1D6A0;
	s16 =	sadd.s32 @!p4 $0x0, s6;
	_ =	swait.ge @!p3 [sflag:s1], $0x1400  }
0x26: {  	s18 =	simm.s32 @!p3 $0x28;
	s16 =	sadd.s32 @!p4 $0x1FFFFB00, s16;
	[sflag:s1] =	ssyncset.done @!p3 $0x0  }
0x27: {  	s4 =	simm.s32 @!p4 $0x4;
	s14 =	simm.s32 @!p3 $0x15F68;
	[sflag:s1] =	ssyncadd.s32 @!p3 $0xFFFFEC00  }
0x28: {  	[tilespmem:s12], [sflag:$0x5] =	stream.indirect.gather.add.f32 @!p3 [spmem:s3], $0x80, s14, s18, $0xb8;
	[tilespmem:$0x1EAA0] =	vst v63  }
0x29: {  	s16 =	sand.u32 @!p4 $0x1FFFFF80, s16;
	p1 =	por $0x1, $0x1;
	_ =	swait.ge @!p4 [sflag:s4], $0x1400  }
0x2a: {  	s19 =	simm.s32 @!p1 $0x2;
	s14 =	sadd.s32 @!p4 s2, s16;
	[sflag:s4] =	ssyncset.done @!p4 $0x0  }
0x2b: {  	s16 =	simm.s32 @!p4 $0x0;
	s18 =	simm.s32 @!p4 $0x1C2A0;
	[sflag:s4] =	ssyncadd.s32 @!p4 $0xFFFFEC00  }
0x2c: {  	[hbm4b:s14+s16] =	stream.linear.scatter @!p4 [tilespmem:s18], [sflag:$0x4], $0x1400, $0x38;
	[tilespmem:$0x1EAA0] =	vst v63  }
0x2d: {  	_ =	swait.ge @!p1 [sflag:s19], $0x1400  }
0x2e: {  	s14 =	simm.s32 @!p2 $0x138A8;
	[sflag:s19] =	ssyncset.done @!p1 $0x0  }
0x2f: {  	s16 =	simm.s32 @!p2 $0x1;
	s18 =	simm.s32 @!p2 $0x19AA0;
	[sflag:s19] =	ssyncadd.s32 @!p1 $0xFFFFEC00  }
0x30: {  	[tilespmem:s18], [sflag:$0x2] =	stream.indirect.gather @!p2 [spmem:s3], $0x80, s14, s17, $0xb8;
	[tilespmem:$0x1EAA0] =	vst v63  }
0x31: {  	_ =	swait.ge @!p2 [sflag:s16], $0x1400  }
0x32: {  	s19 =	simm.s32 @!p2 $0x15F90;
	[sflag:s16] =	ssyncset.done @!p2 $0x0  }
0x33: {  	p1 =	por p2, p2;
	s14 =	sadd.s32 @!p3 $0x0, s6;
	[sflag:s16] =	ssyncadd.s32 @!p2 $0xFFFFEC00  }
0x34: {  	[tilespmem:s0], [sflag:$0x1] =	stream.indirect.gather.add.f32 @!p1 [spmem:s3], $0x80, s19, s17, $0xb8;
	[tilespmem:$0x1EAA0] =	vst v63  }
0x35: {  	p5 =	por $0x1, $0x1;
	s14 =	sadd.s32 @!p3 $0x1FFFFD80, s14;
	_ =	swait.ge @!p3 [sflag:s1], $0x1400  }
0x36: {  	s20 =	simm.s32 @!p5 $0x3;
	s14 =	sand.u32 @!p3 $0x1FFFFF80, s14;
	[sflag:s1] =	ssyncset.done @!p3 $0x0  }
0x37: {  	s14 =	sadd.s32 @!p3 s2, s14;
	s19 =	simm.s32 @!p3 $0x0;
	[sflag:s1] =	ssyncadd.s32 @!p3 $0xFFFFEC00  }
0x38: {  	[hbm4b:s14+s19] =	stream.linear.scatter @!p3 [tilespmem:s12], [sflag:$0x5], $0x1400, $0x38;
	[tilespmem:$0x1EAA0] =	vst v63  }
0x39: {  	_ =	swait.ge @!p5 [sflag:s20], $0x1400  }
0x3a: {  	s22 =	simm.s32 @!p1 $0x1AEA0;
	[sflag:s20] =	ssyncset.done @!p5 $0x0  }
0x3b: {  	s12 =	simm.s32 @!p2 $0x138D0;
	s14 =	simm.s32 @!p1 $0x2;
	[sflag:s20] =	ssyncadd.s32 @!p5 $0xFFFFEC00  }
0x3c: {  	[tilespmem:s22], [sflag:$0x3] =	stream.indirect.gather @!p1 [spmem:s3], $0x80, s12, s17, $0xb8;
	[tilespmem:$0x1EAA0] =	vst v63  }
0x3d: {  	_ =	swait.ge @!p1 [sflag:s14], $0x1400  }
0x3e: {  	[sflag:s14] =	ssyncset.done @!p1 $0x0  }
0x3f: {  	s12 =	simm.s32 @!p2 $0x15FB8;
	[sflag:s14] =	ssyncadd.s32 @!p1 $0xFFFFEC00  }
0x40: {  	[tilespmem:s18], [sflag:$0x2] =	stream.indirect.gather.add.f32 @!p1 [spmem:s3], $0x80, s12, s17, $0xb8;
	[tilespmem:$0x1EAA0] =	vst v63  }
0x41: {  	_ =	swait.ge @!p1 [sflag:s16], $0x1400  }
0x42: {  	s12 =	rddreg [dreg:$0x5];
	[sflag:s16] =	ssyncset.done @!p1 $0x0  }
0x43: {  	s23 =	simm.s32 @!p1 $0x0;
	[sflag:s16] =	ssyncadd.s32 @!p1 $0xFFFFEC00;
	s12 =	sadd.s32 @!p1 $0x0, s12  }
0x44: {  	[hbm4b:s12+s23] =	stream.linear.scatter @!p1 [tilespmem:s0], [sflag:$0x1], $0x1400, $0x38;
	[tilespmem:$0x1EAA0] =	vst v63  }
0x45: {  	_ =	swait.ge @!p4 [sflag:s4], $0x1400  }
0x46: {  	s26 =	simm.s32 @!p1 $0x3;
	[sflag:s4] =	ssyncset.done @!p4 $0x0  }
0x47: {  	s12 =	simm.s32 @!p2 $0x138F8;
	s0 =	simm.s32 @!p1 $0x1C2A0;
	[sflag:s4] =	ssyncadd.s32 @!p4 $0xFFFFEC00  }
0x48: {  	[tilespmem:s0], [sflag:$0x4] =	stream.indirect.gather @!p1 [spmem:s3], $0x80, s12, s17, $0xb8;
	[tilespmem:$0x1EAA0] =	vst v63  }
0x49: {  	_ =	swait.ge @!p1 [sflag:s26], $0x1400  }
0x4a: {  	[sflag:s26] =	ssyncset.done @!p1 $0x0  }
0x4b: {  	s4 =	simm.s32 @!p2 $0x15FE0;
	[sflag:s26] =	ssyncadd.s32 @!p1 $0xFFFFEC00  }
0x4c: {  	[tilespmem:s22], [sflag:$0x3] =	stream.indirect.gather.add.f32 @!p1 [spmem:s3], $0x80, s4, s17, $0xb8;
	[tilespmem:$0x1EAA0] =	vst v63  }
0x4d: {  	_ =	swait.ge @!p1 [sflag:s14], $0x1400  }
0x4e: {  	s4 =	rddreg [dreg:$0x6];
	[sflag:s14] =	ssyncset.done @!p1 $0x0  }
0x4f: {  	[sflag:s14] =	ssyncadd.s32 @!p1 $0xFFFFEC00;
	s4 =	sadd.s32 @!p1 $0x0, s4  }
0x50: {  	[hbm4b:s4+s23] =	stream.linear.scatter @!p1 [tilespmem:s18], [sflag:$0x2], $0x1400, $0x38;
	[tilespmem:$0x1EAA0] =	vst v63  }
0x51: {  	s21 =	simm.s32 $0x320;
	s25 =	simm.s32 $0x0;
	_ =	swait.ge @!p3 [sflag:s1], $0x1400  }
0x52: {  	s28 =	simm.s32 @!p2 $0x16008;
	s12 =	simm.s32 @!p2 $0x13920;
	[sflag:s1] =	ssyncset.done @!p3 $0x0  }
0x53: {  	s4 =	simm.s32 @!p1 $0x4;
	[sflag:s1] =	ssyncadd.s32 @!p3 $0xFFFFEC00;
	s1 =	simm.s32 @!p1 $0x1D6A0  }
0x54: {  	[tilespmem:s1], [sflag:$0x5] =	stream.indirect.gather @!p1 [spmem:s3], $0x80, s12, s17, $0xb8;
	[tilespmem:$0x1EAA0] =	vst v63  }
0x55: {  	s19 =	simm.s32 $0x1;
	s20 =	simm.s32 $0x640;
	_ =	swait.ge @!p1 [sflag:s4], $0x1400  }
0x56: {  	s16 =	simm.s32 $0xC80;
	s18 =	simm.s32 $0x0;
	[sflag:s4] =	ssyncset.done @!p1 $0x0  }
.LBB2_2:
0x57: {  	p6 =	sgt.u32 s18, $0xF9;
	[sflag:s4] =	ssyncadd.s32 @!p1 $0xFFFFEC00  }
0x58: {  	s8 =	sadd.s32 $0x4, s18;
	s14 =	sadd.s32 $0x3, s18;
	p5 =	sgt.u32 s19, $0x31  }
0x59: {  	[tilespmem:s0], [sflag:$0x4] =	stream.indirect.gather.add.f32 @!p1 [spmem:s3], $0x80, s28, s17, $0xb8;
	[tilespmem:$0x1EAA0] =	vst v63  }
0x5a: {  	s1 =	simm.s32 @!p6 $0x1;
	p3 =	sgt.u32 s8, $0xF9;
	s17 =	simm.s32 @!p5 $0x28  }
0x5b: {  	p4 =	sgt.u32 s14, $0xF9;
	_ =	swait.ge @!p1 [sflag:s26], $0x1400;
	s4 =	sadd.s32 @!p3 s16, s6  }
0x5c: {  	s0 =	simm.s32 @!p3 $0x1D6A0;
	s12 =	rddreg [dreg:$0x7];
	[sflag:s26] =	ssyncset.done @!p1 $0x0  }
0x5d: {  	s24 =	simm.s32 @!p3 $0x5;
	[sflag:s26] =	ssyncadd.s32 @!p1 $0xFFFFEC00;
	s12 =	sadd.s32 @!p1 s25, s12  }
0x5e: {  	[hbm4b:s12+s23] =	stream.linear.scatter @!p1 [tilespmem:s22], [sflag:$0x3], $0x1400, $0x38;
	[tilespmem:$0x1EAA0] =	vst v63  }
0x5f: {  	s29 =	simm.s32 @!p4 $0x4;
	s4 =	sadd.s32 @!p3 $0x1FFFFD80, s4;
	_ =	swait.ge @!p6 [sflag:s1], $0x1400  }
0x60: {  	s26 =	simm.s32 @!p5 $0x186A0;
	s25 =	sshra.s32 @!p5 s21, $0x2;
	[sflag:s1] =	ssyncset.done @!p6 $0x0  }
0x61: {  	s14 =	sand.u32 @!p3 $0x1FFFFF80, s4;
	s12 =	sadd.s32 @!p5 $0x13880, s25;
	[sflag:s1] =	ssyncadd.s32 @!p6 $0xFFFFEC00  }
0x62: {  	[tilespmem:s26], [sflag:$0x1] =	stream.indirect.gather @!p5 [spmem:s3], $0x80, s12, s17, $0xb8;
	[tilespmem:$0x1EAA0] =	vst v63  }
0x63: {  	s4 =	sshra.s32 @!p3 s21, $0x2;
	s23 =	sadd.s32 $0x1, s18;
	_ =	swait.ge @!p3 [sflag:s24], $0x1400  }
0x64: {  	s1 =	sadd.s32 @!p3 $0x15F68, s4;
	s4 =	sadd.s32 @!p4 s16, s6;
	[sflag:s24] =	ssyncset.done @!p3 $0x0  }
0x65: {  	s12 =	simm.s32 @!p3 $0x28;
	s4 =	sadd.s32 @!p4 $0x1FFFFB00, s4;
	[sflag:s24] =	ssyncadd.s32 @!p3 $0xFFFFEC00  }
0x66: {  	[tilespmem:s0], [sflag:$0x5] =	stream.indirect.gather.add.f32 @!p3 [spmem:s3], $0x80, s1, s12, $0xb8;
	[tilespmem:$0x1EAA0] =	vst v63  }
0x67: {  	p1 =	sgt.u32 s23, $0xF9;
	s4 =	sand.u32 @!p4 $0x1FFFFF80, s4;
	_ =	swait.ge @!p4 [sflag:s29], $0x1400  }
0x68: {  	s23 =	simm.s32 @!p1 $0x2;
	s1 =	sadd.s32 @!p4 s2, s4;
	[sflag:s29] =	ssyncset.done @!p4 $0x0  }
0x69: {  	s12 =	simm.s32 @!p4 $0x0;
	s4 =	simm.s32 @!p4 $0x1C2A0;
	[sflag:s29] =	ssyncadd.s32 @!p4 $0xFFFFEC00  }
0x6a: {  	[hbm4b:s1+s12] =	stream.linear.scatter @!p4 [tilespmem:s4], [sflag:$0x4], $0x1400, $0x38;
	[tilespmem:$0x1EAA0] =	vst v63  }
0x6b: {  	s30 =	smov.u32 s20;
	s21 =	sadd.s32 @!p5 $0x138A8, s25;
	_ =	swait.ge @!p1 [sflag:s23], $0x1400  }
0x6c: {  	s22 =	sadd.s32 @!p5 $0x15F90, s25;
	s5 =	sadd.s32 @!p3 s2, s14;
	[sflag:s23] =	ssyncset.done @!p1 $0x0  }
0x6d: {  	s4 =	simm.s32 @!p5 $0x1;
	s1 =	simm.s32 @!p5 $0x19AA0;
	[sflag:s23] =	ssyncadd.s32 @!p1 $0xFFFFEC00  }
0x6e: {  	[tilespmem:s1], [sflag:$0x2] =	stream.indirect.gather @!p5 [spmem:s3], $0x80, s21, s17, $0xb8;
	[tilespmem:$0x1EAA0] =	vst v63  }
0x6f: {  	s7 =	sadd.s32 @!p5 $0x138D0, s25;
	s8 =	sadd.s32 @!p5 $0x15FB8, s25;
	_ =	swait.ge @!p5 [sflag:s4], $0x1400  }
0x70: {  	s14 =	sadd.s32 @!p5 $0x138F8, s25;
	s31 =	sadd.s32 @!p5 $0x13920, s25;
	[sflag:s4] =	ssyncset.done @!p5 $0x0  }
0x71: {  	s28 =	sadd.s32 @!p5 $0x16008, s25;
	p1 =	por p5, p5;
	[sflag:s4] =	ssyncadd.s32 @!p5 $0xFFFFEC00  }
0x72: {  	[tilespmem:s26], [sflag:$0x1] =	stream.indirect.gather.add.f32 @!p1 [spmem:s3], $0x80, s22, s17, $0xb8;
	[tilespmem:$0x1EAA0] =	vst v63  }
0x73: {  	s21 =	smov.u32 s30;
	s30 =	sadd.s32 $0x2, s18;
	_ =	swait.ge @!p3 [sflag:s24], $0x1400  }
0x74: {  	s12 =	sadd.s32 @!p5 $0x15FE0, s25;
	p5 =	sgt.u32 s30, $0xF9;
	[sflag:s24] =	ssyncset.done @!p3 $0x0  }
0x75: {  	s22 =	simm.s32 @!p3 $0x0;
	s23 =	simm.s32 @!p5 $0x3;
	[sflag:s24] =	ssyncadd.s32 @!p3 $0xFFFFEC00  }
0x76: {  	[hbm4b:s5+s22] =	stream.linear.scatter @!p3 [tilespmem:s0], [sflag:$0x5], $0x1400, $0x38;
	[tilespmem:$0x1EAA0] =	vst v63  }
0x77: {  	_ =	swait.ge @!p5 [sflag:s23], $0x1400  }
0x78: {  	[sflag:s23] =	ssyncset.done @!p5 $0x0  }
0x79: {  	s5 =	simm.s32 @!p1 $0x2;
	s22 =	simm.s32 @!p1 $0x1AEA0;
	[sflag:s23] =	ssyncadd.s32 @!p5 $0xFFFFEC00  }
0x7a: {  	[tilespmem:s22], [sflag:$0x3] =	stream.indirect.gather @!p1 [spmem:s3], $0x80, s7, s17, $0xb8;
	[tilespmem:$0x1EAA0] =	vst v63  }
0x7b: {  	_ =	swait.ge @!p1 [sflag:s5], $0x1400  }
0x7c: {  	[sflag:s5] =	ssyncset.done @!p1 $0x0  }
0x7d: {  	[sflag:s5] =	ssyncadd.s32 @!p1 $0xFFFFEC00  }
0x7e: {  	[tilespmem:s1], [sflag:$0x2] =	stream.indirect.gather.add.f32 @!p1 [spmem:s3], $0x80, s8, s17, $0xb8;
	[tilespmem:$0x1EAA0] =	vst v63  }
0x7f: {  	_ =	swait.ge @!p1 [sflag:s4], $0x1400  }
0x80: {  	[sflag:s4] =	ssyncset.done @!p1 $0x0;
	s0 =	rddreg [dreg:$0x5]  }
0x81: {  	s23 =	simm.s32 @!p1 $0x0;
	[sflag:s4] =	ssyncadd.s32 @!p1 $0xFFFFEC00;
	s0 =	sadd.s32 @!p1 s16, s0  }
0x82: {  	[hbm4b:s0+s23] =	stream.linear.scatter @!p1 [tilespmem:s26], [sflag:$0x1], $0x1400, $0x38;
	[tilespmem:$0x1EAA0] =	vst v63  }
0x83: {  	_ =	swait.ge @!p4 [sflag:s29], $0x1400  }
0x84: {  	[sflag:s29] =	ssyncset.done @!p4 $0x0  }
0x85: {  	s26 =	simm.s32 @!p1 $0x3;
	s0 =	simm.s32 @!p1 $0x1C2A0;
	[sflag:s29] =	ssyncadd.s32 @!p4 $0xFFFFEC00  }
0x86: {  	[tilespmem:s0], [sflag:$0x4] =	stream.indirect.gather @!p1 [spmem:s3], $0x80, s14, s17, $0xb8;
	[tilespmem:$0x1EAA0] =	vst v63  }
0x87: {  	_ =	swait.ge @!p1 [sflag:s26], $0x1400  }
0x88: {  	[sflag:s26] =	ssyncset.done @!p1 $0x0  }
0x89: {  	[sflag:s26] =	ssyncadd.s32 @!p1 $0xFFFFEC00  }
0x8a: {  	[tilespmem:s22], [sflag:$0x3] =	stream.indirect.gather.add.f32 @!p1 [spmem:s3], $0x80, s12, s17, $0xb8;
	[tilespmem:$0x1EAA0] =	vst v63  }
0x8b: {  	_ =	swait.ge @!p1 [sflag:s5], $0x1400  }
0x8c: {  	[sflag:s5] =	ssyncset.done @!p1 $0x0;
	s4 =	rddreg [dreg:$0x6]  }
0x8d: {  	s20 =	sadd.s32 $0x320, s20;
	[sflag:s5] =	ssyncadd.s32 @!p1 $0xFFFFEC00;
	s4 =	sadd.s32 @!p1 s16, s4  }
0x8e: {  	[hbm4b:s4+s23] =	stream.linear.scatter @!p1 [tilespmem:s1], [sflag:$0x2], $0x1400, $0x38;
	[tilespmem:$0x1EAA0] =	vst v63  }
0x8f: {  	p2 =	sne.s32 s20, $0xA280;
	_ =	swait.ge @!p3 [sflag:s24], $0x1400  }
.Ltmp0:
0x90: {  	[sflag:s24] =	ssyncset.done @!p3 $0x0;
	(pc) =	sbr.rel @p2 .LBB2_2-.Ltmp0, $4  }
0x91: {  	s4 =	simm.s32 @!p1 $0x4;
	s1 =	simm.s32 @!p1 $0x1D6A0;
	[sflag:s24] =	ssyncadd.s32 @!p3 $0xFFFFEC00  }
0x92: {  	[tilespmem:s1], [sflag:$0x5] =	stream.indirect.gather @!p1 [spmem:s3], $0x80, s31, s17, $0xb8;
	[tilespmem:$0x1EAA0] =	vst v63  }
0x93: {  	s19 =	sadd.s32 $0x1, s19;
	s25 =	smov.u32 s16;
	_ =	swait.ge @!p1 [sflag:s4], $0x1400  }
0x94: {  	s18 =	sadd.s32 $0x5, s18;
	s16 =	sadd.s32 $0xC80, s16;
	[sflag:s4] =	ssyncset.done @!p1 $0x0  }
0x95: {  	[sflag:s4] =	ssyncadd.s32 @!p1 $0xFFFFEC00;
	p5 =	sgt.u32 s18, $0xF9  }
0x96: {  	s1 =	sadd.s32 $0x4, s18;
	s5 =	sadd.s32 $0x3, s18;
	p2 =	sgt.u32 s19, $0x31  }
0x97: {  	[tilespmem:s0], [sflag:$0x4] =	stream.indirect.gather.add.f32 @!p1 [spmem:s3], $0x80, s28, s17, $0xb8;
	[tilespmem:$0x1EAA0] =	vst v63  }
0x98: {  	s30 =	sadd.s32 $0x1, s18;
	s4 =	simm.s32 @!p5 $0x1;
	_ =	swait.ge @!p1 [sflag:s26], $0x1400  }
0x99: {  	p3 =	sgt.u32 s1, $0xF9;
	s0 =	rddreg [dreg:$0x7];
	[sflag:s26] =	ssyncset.done @!p1 $0x0  }
0x9a: {  	s17 =	simm.s32 @!p2 $0x28;
	[sflag:s26] =	ssyncadd.s32 @!p1 $0xFFFFEC00;
	s0 =	sadd.s32 @!p1 s25, s0  }
0x9b: {  	[hbm4b:s0+s23] =	stream.linear.scatter @!p1 [tilespmem:s22], [sflag:$0x3], $0x1400, $0x38;
	[tilespmem:$0x1EAA0] =	vst v63  }
0x9c: {  	p4 =	sgt.u32 s5, $0xF9;
	s19 =	sshra.s32 @!p2 s21, $0x2;
	_ =	swait.ge @!p5 [sflag:s4], $0x1400  }
0x9d: {  	s5 =	simm.s32 @!p3 $0x1D6A0;
	s7 =	sadd.s32 @!p2 $0x13880, s19;
	[sflag:s4] =	ssyncset.done @!p5 $0x0  }
0x9e: {  	s1 =	simm.s32 @!p3 $0x5;
	s0 =	simm.s32 @!p2 $0x186A0;
	[sflag:s4] =	ssyncadd.s32 @!p5 $0xFFFFEC00  }
0x9f: {  	[tilespmem:s0], [sflag:$0x1] =	stream.indirect.gather @!p2 [spmem:s3], $0x80, s7, s17, $0xb8;
	[tilespmem:$0x1EAA0] =	vst v63  }
0xa0: {  	s8 =	sshra.s32 @!p3 s21, $0x2;
	s12 =	simm.s32 @!p4 $0x4;
	_ =	swait.ge @!p3 [sflag:s1], $0x1400  }
0xa1: {  	s4 =	sadd.s32 @!p3 $0x15F68, s8;
	s7 =	sadd.s32 @!p4 s16, s6;
	[sflag:s1] =	ssyncset.done @!p3 $0x0  }
0xa2: {  	s8 =	simm.s32 @!p3 $0x28;
	s7 =	sadd.s32 @!p4 $0x1FFFFB00, s7;
	[sflag:s1] =	ssyncadd.s32 @!p3 $0xFFFFEC00  }
0xa3: {  	[tilespmem:s5], [sflag:$0x5] =	stream.indirect.gather.add.f32 @!p3 [spmem:s3], $0x80, s4, s8, $0xb8;
	[tilespmem:$0x1EAA0] =	vst v63  }
0xa4: {  	p1 =	sgt.u32 s30, $0xF9;
	s7 =	sand.u32 @!p4 $0x1FFFFF80, s7;
	_ =	swait.ge @!p4 [sflag:s12], $0x1400  }
0xa5: {  	s14 =	simm.s32 @!p1 $0x2;
	s4 =	sadd.s32 @!p4 s2, s7;
	[sflag:s12] =	ssyncset.done @!p4 $0x0  }
0xa6: {  	s8 =	simm.s32 @!p4 $0x0;
	s7 =	simm.s32 @!p4 $0x1C2A0;
	[sflag:s12] =	ssyncadd.s32 @!p4 $0xFFFFEC00  }
0xa7: {  	[hbm4b:s4+s8] =	stream.linear.scatter @!p4 [tilespmem:s7], [sflag:$0x4], $0x1400, $0x38;
	[tilespmem:$0x1EAA0] =	vst v63  }
0xa8: {  	_ =	swait.ge @!p1 [sflag:s14], $0x1400  }
0xa9: {  	s4 =	sadd.s32 @!p2 $0x138A8, s19;
	[sflag:s14] =	ssyncset.done @!p1 $0x0  }
0xaa: {  	s7 =	simm.s32 @!p2 $0x1;
	s8 =	simm.s32 @!p2 $0x19AA0;
	[sflag:s14] =	ssyncadd.s32 @!p1 $0xFFFFEC00  }
0xab: {  	[tilespmem:s8], [sflag:$0x2] =	stream.indirect.gather @!p2 [spmem:s3], $0x80, s4, s17, $0xb8;
	[tilespmem:$0x1EAA0] =	vst v63  }
0xac: {  	_ =	swait.ge @!p2 [sflag:s7], $0x1400  }
0xad: {  	s31 =	sadd.s32 $0x2, s18;
	s14 =	sadd.s32 @!p2 $0x15F90, s19;
	[sflag:s7] =	ssyncset.done @!p2 $0x0  }
0xae: {  	p1 =	por p2, p2;
	s4 =	sadd.s32 @!p3 s16, s6;
	[sflag:s7] =	ssyncadd.s32 @!p2 $0xFFFFEC00  }
0xaf: {  	[tilespmem:s0], [sflag:$0x1] =	stream.indirect.gather.add.f32 @!p1 [spmem:s3], $0x80, s14, s17, $0xb8;
	[tilespmem:$0x1EAA0] =	vst v63  }
0xb0: {  	p5 =	sgt.u32 s31, $0xF9;
	s4 =	sadd.s32 @!p3 $0x1FFFFD80, s4;
	_ =	swait.ge @!p3 [sflag:s1], $0x1400  }
0xb1: {  	s18 =	simm.s32 @!p5 $0x3;
	s4 =	sand.u32 @!p3 $0x1FFFFF80, s4;
	[sflag:s1] =	ssyncset.done @!p3 $0x0  }
0xb2: {  	s4 =	sadd.s32 @!p3 s2, s4;
	s14 =	simm.s32 @!p3 $0x0;
	[sflag:s1] =	ssyncadd.s32 @!p3 $0xFFFFEC00  }
0xb3: {  	[hbm4b:s4+s14] =	stream.linear.scatter @!p3 [tilespmem:s5], [sflag:$0x5], $0x1400, $0x38;
	[tilespmem:$0x1EAA0] =	vst v63  }
0xb4: {  	_ =	swait.ge @!p5 [sflag:s18], $0x1400  }
0xb5: {  	s4 =	sadd.s32 @!p2 $0x138D0, s19;
	[sflag:s18] =	ssyncset.done @!p5 $0x0  }
0xb6: {  	s5 =	simm.s32 @!p1 $0x2;
	s14 =	simm.s32 @!p1 $0x1AEA0;
	[sflag:s18] =	ssyncadd.s32 @!p5 $0xFFFFEC00  }
0xb7: {  	[tilespmem:s14], [sflag:$0x3] =	stream.indirect.gather @!p1 [spmem:s3], $0x80, s4, s17, $0xb8;
	[tilespmem:$0x1EAA0] =	vst v63  }
0xb8: {  	_ =	swait.ge @!p1 [sflag:s5], $0x1400  }
0xb9: {  	[sflag:s5] =	ssyncset.done @!p1 $0x0  }
0xba: {  	s4 =	sadd.s32 @!p2 $0x15FB8, s19;
	[sflag:s5] =	ssyncadd.s32 @!p1 $0xFFFFEC00  }
0xbb: {  	[tilespmem:s8], [sflag:$0x2] =	stream.indirect.gather.add.f32 @!p1 [spmem:s3], $0x80, s4, s17, $0xb8;
	[tilespmem:$0x1EAA0] =	vst v63  }
0xbc: {  	_ =	swait.ge @!p1 [sflag:s7], $0x1400  }
0xbd: {  	s4 =	rddreg [dreg:$0x5];
	[sflag:s7] =	ssyncset.done @!p1 $0x0  }
0xbe: {  	s18 =	simm.s32 @!p1 $0x0;
	[sflag:s7] =	ssyncadd.s32 @!p1 $0xFFFFEC00;
	s4 =	sadd.s32 @!p1 s16, s4  }
0xbf: {  	[hbm4b:s4+s18] =	stream.linear.scatter @!p1 [tilespmem:s0], [sflag:$0x1], $0x1400, $0x38;
	[tilespmem:$0x1EAA0] =	vst v63  }
0xc0: {  	_ =	swait.ge @!p4 [sflag:s12], $0x1400  }
0xc1: {  	s7 =	simm.s32 @!p1 $0x1C2A0;
	[sflag:s12] =	ssyncset.done @!p4 $0x0  }
0xc2: {  	s0 =	sadd.s32 @!p2 $0x138F8, s19;
	s4 =	simm.s32 @!p1 $0x3;
	[sflag:s12] =	ssyncadd.s32 @!p4 $0xFFFFEC00  }
0xc3: {  	[tilespmem:s7], [sflag:$0x4] =	stream.indirect.gather @!p1 [spmem:s3], $0x80, s0, s17, $0xb8;
	[tilespmem:$0x1EAA0] =	vst v63  }
0xc4: {  	_ =	swait.ge @!p1 [sflag:s4], $0x1400  }
0xc5: {  	[sflag:s4] =	ssyncset.done @!p1 $0x0  }
0xc6: {  	s0 =	sadd.s32 @!p2 $0x15FE0, s19;
	[sflag:s4] =	ssyncadd.s32 @!p1 $0xFFFFEC00  }
0xc7: {  	[tilespmem:s14], [sflag:$0x3] =	stream.indirect.gather.add.f32 @!p1 [spmem:s3], $0x80, s0, s17, $0xb8;
	[tilespmem:$0x1EAA0] =	vst v63  }
0xc8: {  	_ =	swait.ge @!p1 [sflag:s5], $0x1400  }
0xc9: {  	s0 =	rddreg [dreg:$0x6];
	[sflag:s5] =	ssyncset.done @!p1 $0x0  }
0xca: {  	[sflag:s5] =	ssyncadd.s32 @!p1 $0xFFFFEC00;
	s0 =	sadd.s32 @!p1 s16, s0  }
0xcb: {  	[hbm4b:s0+s18] =	stream.linear.scatter @!p1 [tilespmem:s8], [sflag:$0x2], $0x1400, $0x38;
	[tilespmem:$0x1EAA0] =	vst v63  }
0xcc: {  	_ =	swait.ge @!p3 [sflag:s1], $0x1400  }
0xcd: {  	s5 =	simm.s32 @!p1 $0x4;
	[sflag:s1] =	ssyncset.done @!p3 $0x0  }
0xce: {  	s0 =	sadd.s32 @!p2 $0x13920, s19;
	[sflag:s1] =	ssyncadd.s32 @!p3 $0xFFFFEC00;
	s1 =	simm.s32 @!p1 $0x1D6A0  }
0xcf: {  	[tilespmem:s1], [sflag:$0x5] =	stream.indirect.gather @!p1 [spmem:s3], $0x80, s0, s17, $0xb8;
	[tilespmem:$0x1EAA0] =	vst v63  }
0xd0: {  	_ =	swait.ge @!p1 [sflag:s5], $0x1400  }
0xd1: {  	[sflag:s5] =	ssyncset.done @!p1 $0x0  }
0xd2: {  	s0 =	sadd.s32 @!p2 $0x16008, s19;
	[sflag:s5] =	ssyncadd.s32 @!p1 $0xFFFFEC00  }
0xd3: {  	[tilespmem:s7], [sflag:$0x4] =	stream.indirect.gather.add.f32 @!p1 [spmem:s3], $0x80, s0, s17, $0xb8;
	[tilespmem:$0x1EAA0] =	vst v63  }
0xd4: {  	_ =	swait.ge @!p1 [sflag:s4], $0x1400  }
0xd5: {  	s0 =	rddreg [dreg:$0x7];
	[sflag:s4] =	ssyncset.done @!p1 $0x0  }
0xd6: {  	s15 =	sadd.s32 $0x1, s15;
	[sflag:s4] =	ssyncadd.s32 @!p1 $0xFFFFEC00;
	s0 =	sadd.s32 @!p1 s16, s0  }
0xd7: {  	[hbm4b:s0+s18] =	stream.linear.scatter @!p1 [tilespmem:s14], [sflag:$0x3], $0x1400, $0x38;
	[tilespmem:$0x1EAA0] =	vst v63  }
0xd8: {  	p1 =	sne.s32 s15, s9  }
.Ltmp1:
0xd9: {  	_ = 	snop;
	(pc) =	sbr.rel @p1 .LBB2_1-.Ltmp1, $1  }
0xda: {  	_ =	sdelay $0x3  }
0xdb: {  	_ =	sfence.sel $0x180000  }
0xdc: {  	[bflag:$0x0] =	sbarrier.arrive $0xFFFF  }
0xdd: {  	_ =	strace $0x90000047  }
0xde: {  	s0 =	stileid.u32;
	[bflag:$0x2] =	sbarrier.arrive $0xFFFF  }
0xdf: {  	p0 =	sne.s32 s0, $0x0;
	s0 =	rddreg [dreg:$0x4]  }
0xe0: {  	s0 =	sadd.s32 @!p0 $0x100000, s0  }
0xe1: {  	[sflag:s0] =	ssyncadd.tile.s32 @!p0 $0x1;
	_ =	shalt  }
.Lfunc_end2:
_tile_overlayer_lowered:
.L_overlay_start_2:
0xe2: {  	(tag) =	ssettag $0x2  }
0xe3: {  	s0 =	rddreg [dreg:$0x0];
	s2 =	stileid.u32  }
0xe4: {  	s1 =	rddreg [dreg:$0x1];
	p0 =	sne.s32 s2, $0x0  }
0xe5: {  	s3 =	rddreg [dreg:$0x2];
	[bflag:$0x3] =	sbarrier.arrive $0xFFFF;
	s2 =	simm.s32 @!p0 $0x1C06  }
0xe6: {  	[timem:s3], [sflag:s2] =	dma.local @!p0 [hbm:s0], s1  }
0xe7: {  	s0 =	simm.s32 @!p0 $0x6  }
0xe8: {  	_ =	swait.ge @!p0 [sflag:s0], s1  }
0xe9: {  	s1 =	ssub.s32 @!p0 $0x0, s1;
	[sflag:s0] =	ssyncset.done @!p0 $0x0  }
0xea: {  	[sflag:s0] =	ssyncadd.s32 @!p0 s1  }
0xeb: {  	[bflag:$0x3] =	sbarrier.arrive $0xFFFF  }
0xec: {  	_ =	shalt  }

</sc_bundles>
